<compile_context>
chip_gen: v7x
topology: tpu7x:2x2x1
jax: 0.10.2.dev20260603
libtpu: 0.0.44.dev20260713+nightly
codegen_flags: <defaults>
</compile_context>

<pallas_src>
import functools

import jax
import jax.numpy as jnp
from jax import lax
from jax.experimental import pallas as pl
from jax.experimental.pallas import tpu as pltpu
from jax.experimental.pallas import tpu_sc as plsc

_CH = 128
_NBUF = 2
_BLK = 2048


def _sc_info():
    try:
        info = plsc.get_sparse_core_info()
        return info.num_cores, info.num_subcores
    except Exception:
        return 2, 16


@functools.lru_cache(maxsize=None)
def _make_deg(npad, nch, nc, ns):
    mesh = plsc.VectorSubcoreMesh(core_axis_name="c", subcore_axis_name="s",
                                  num_cores=nc, num_subcores=ns)
    rows_per_tile = npad // ns

    def body(dst_hbm, zero_hbm, out_hbm, dstv, ones_v, acc):
        c = lax.axis_index("c")
        s = lax.axis_index("s")
        wid = s * nc + c
        pltpu.sync_copy(dst_hbm.at[wid], dstv)
        for i in range(_CH // 16):
            ones_v[pl.ds(i * 16, 16)] = jnp.full((16,), 1.0, jnp.float32)

        @pl.when(s == 0)
        def _():
            pltpu.sync_copy(zero_hbm, acc)

        plsc.subcore_barrier()

        def step(a, carry):
            pltpu.sync_copy(ones_v, acc.at[dstv.at[a]], add=True)
            return carry

        lax.fori_loop(0, nch, step, 0)
        plsc.subcore_barrier()
        lo = s * rows_per_tile
        pltpu.sync_copy(acc.at[pl.ds(lo, rows_per_tile)],
                        out_hbm.at[c].at[pl.ds(lo, rows_per_tile)])

    return pl.kernel(
        body,
        out_type=jax.ShapeDtypeStruct((nc, npad), jnp.float32),
        mesh=mesh,
        compiler_params=pltpu.CompilerParams(use_tc_tiling_on_sc=False),
        scratch_types=[
            pltpu.VMEM((nch, _CH), jnp.int32),
            pltpu.VMEM((_CH,), jnp.float32),
            pltpu.VMEM_SHARED((npad,), jnp.float32),
        ],
    )


@functools.lru_cache(maxsize=None)
def _make_spmm(npad, d, nch, nc, ns):
    mesh = plsc.VectorSubcoreMesh(core_axis_name="c", subcore_axis_name="s",
                                  num_cores=nc, num_subcores=ns)
    rows_per_tile = npad // ns
    nbuf = _NBUF

    def body(y_hbm, src_hbm, dst_hbm, zero_hbm, out_hbm,
             srcv, dstv, rows, gsems, acc, yspm):
        c = lax.axis_index("c")
        s = lax.axis_index("s")
        wid = s * nc + c
        lo = s * rows_per_tile
        pltpu.sync_copy(src_hbm.at[wid], srcv)
        pltpu.sync_copy(dst_hbm.at[wid], dstv)

        pltpu.sync_copy(zero_hbm.at[pl.ds(lo, rows_per_tile), pl.ds(0, d)],
                        acc.at[pl.ds(lo, rows_per_tile)])

        pltpu.sync_copy(y_hbm.at[pl.ds(lo, rows_per_tile), pl.ds(0, d)],
                        yspm.at[pl.ds(lo, rows_per_tile)])

        plsc.subcore_barrier()

        for b in range(nbuf - 1):
            pltpu.async_copy(yspm.at[srcv.at[b]], rows[b], gsems[b])

        def outer(g2, carry):
            g = g2 * nbuf
            for b in range(nbuf):
                a = g + b
                pltpu.make_async_copy(yspm.at[srcv.at[a]], rows[b],
                                      gsems[b]).wait()

                nb = (b + nbuf - 1) % nbuf

                @pl.when(a + nbuf - 1 < nch)
                def _():
                    pltpu.async_copy(yspm.at[srcv.at[a + nbuf - 1]],
                                     rows[nb], gsems[nb])

                pltpu.sync_copy(rows[b], acc.at[dstv.at[a]], add=True)
            return carry

        lax.fori_loop(0, nch // nbuf, outer, 0)
        plsc.subcore_barrier()
        pltpu.sync_copy(acc.at[pl.ds(lo, rows_per_tile)],
                        out_hbm.at[pl.ds(lo, rows_per_tile),
                                   pl.ds(c * 64, d)])

    return pl.kernel(
        body,
        out_type=jax.ShapeDtypeStruct((npad, 128), jnp.float32),
        mesh=mesh,
        compiler_params=pltpu.CompilerParams(use_tc_tiling_on_sc=False),
        scratch_types=[
            pltpu.VMEM((nch, _CH), jnp.int32),
            pltpu.VMEM((nch, _CH), jnp.int32),
            [pltpu.VMEM((_CH, d), jnp.float32) for _ in range(nbuf)],
            [pltpu.SemaphoreType.DMA for _ in range(nbuf)],
            pltpu.VMEM_SHARED((npad, d), jnp.float32),
            pltpu.VMEM_SHARED((npad, d), jnp.float32),
        ],
    )




def _pad128(v):
    return jnp.concatenate(
        [v, jnp.zeros((v.shape[0], 128 - v.shape[1]), jnp.float32)], axis=1)


def _tc_pre_body(xb, fb, w0, wl0, bl0, wl1a, wl1b, bl1, xw0, lin0, lin1):
    lin0[...] = jnp.maximum(
        jnp.dot(fb[0], wl0[...], preferred_element_type=jnp.float32)
        + bl0[...], 0.0)
    lin1[...] = jnp.maximum(
        jnp.dot(fb[1], wl1a[...], preferred_element_type=jnp.float32)
        + jnp.dot(fb[2], wl1b[...], preferred_element_type=jnp.float32)
        + bl1[...], 0.0)
    xw0[...] = jnp.dot(xb[...], w0[...], preferred_element_type=jnp.float32)


def _tc_scale_body(degp, xw0, y0, dinvb):
    deg = degp[0, :] + degp[1, :] + 1.0
    dinv = lax.rsqrt(deg)[:, None]
    dinvb[...] = dinv
    y0[...] = _pad128(xw0[...] * dinv)


def _tc_hide_body(lin0, lin1, w1a, wca, pre1, pre2):
    pre1[...] = jnp.dot(lin0[...], w1a[...],
                        preferred_element_type=jnp.float32)
    pre2[...] = jnp.dot(lin1[...], wca[...],
                        preferred_element_type=jnp.float32)


def _tc_mid1_body(p0, y0, pre1, dinvb, b0, w1b, y1):
    dinv = dinvb[...]
    p = p0[...]
    s = p[:, :64] + p[:, 64:] + y0[...][:, :64]
    conv0 = jnp.maximum(dinv * s + b0[...], 0.0)
    y1[...] = _pad128(
        (pre1[...] + jnp.dot(conv0, w1b[...],
                             preferred_element_type=jnp.float32)) * dinv)


def _tc_mid2_body(p1, y1, pre2, dinvb, b1, wcb, yc):
    dinv = dinvb[...]
    p = p1[...]
    s = p[:, :64] + p[:, 64:] + y1[...][:, :64]
    conv1 = jnp.maximum(dinv * s + b1[...], 0.0)
    v = (pre2[...] + jnp.dot(conv1, wcb[...],
                             preferred_element_type=jnp.float32)) * dinv
    yc[...] = _pad128(v)


def _tc_post_body(pc, ycb, dinvb, bc, out0, convc):
    ncls = bc.shape[1]
    p = pc[...]
    yc = ycb[...]
    v = dinvb[...] * (p[:, :ncls] + p[:, 64:64 + ncls] + yc[:, :ncls]) \
        + bc[...]
    m = jnp.max(v, axis=-1, keepdims=True)
    lse = jnp.log(jnp.sum(jnp.exp(v - m), axis=-1, keepdims=True)) + m
    convc[...] = v
    out0[...] = v - lse


def _row_spec(d, blk=_BLK):
    return pl.BlockSpec((blk, d), lambda i: (i, 0))


def _full_spec(shape):
    return pl.BlockSpec(shape, lambda i: tuple(0 for _ in shape))


def kernel(x, edge_index, features, W0, b0, Wl0, bl0, W1, b1, Wl1, bl1,
           order_weights, Wc, bc):
    n, fin = x.shape
    nhid = W0.shape[1]
    ncls = Wc.shape[1]
    nc, ns = _sc_info()
    nw = nc * ns

    npad = ((n + 1 + _BLK - 1) // _BLK) * _BLK
    grid = npad // _BLK

    idt = edge_index.dtype
    et = edge_index.shape[1]
    nch = -(-et // (nw * _CH))
    nch = -(-nch // _NBUF) * _NBUF
    epad = nw * nch * _CH
    fill = jnp.full((epad - et,), n, idt)
    srcp = jnp.concatenate([edge_index[0], fill]).reshape(nw, nch, _CH)
    dstp = jnp.concatenate([edge_index[1], fill]).reshape(nw, nch, _CH)

    wl1a = order_weights[0] * Wl1[:fin]
    wl1b = order_weights[1] * Wl1[fin:]
    w1a, w1b = W1[:nhid], W1[nhid:]
    wca, wcb = Wc[:nhid], Wc[nhid:]
    b0r = b0[None, :]
    b1r = b1[None, :]
    bl0r = bl0[None, :]
    bl1r = bl1[None, :]
    bcr = bc[None, :]

    zdeg = jnp.zeros((npad,), jnp.float32)
    z128 = jnp.zeros((npad, 128), jnp.float32)

    deg_fn = _make_deg(npad, nch, nc, ns)
    spmm_h = _make_spmm(npad, nhid, nch, nc, ns)
    spmm_c = _make_spmm(npad, ncls, nch, nc, ns)

    degp = deg_fn(dstp, zdeg)

    xw0, lin0, lin1 = pl.pallas_call(
        _tc_pre_body,
        grid=(grid,),
        in_specs=[
            _row_spec(fin),
            pl.BlockSpec((3, _BLK, fin), lambda i: (0, i, 0)),
            _full_spec((fin, nhid)), _full_spec((fin, nhid)),
            _full_spec((1, nhid)),
            _full_spec((fin, nhid)), _full_spec((fin, nhid)),
            _full_spec((1, nhid)),
        ],
        out_specs=[_row_spec(nhid)] * 3,
        out_shape=[jax.ShapeDtypeStruct((npad, nhid), jnp.float32)] * 3,
    )(x, features, W0, Wl0, bl0r, wl1a, wl1b, bl1r)

    y0, dinv = pl.pallas_call(
        _tc_scale_body,
        grid=(grid,),
        in_specs=[pl.BlockSpec((2, _BLK), lambda i: (0, i)), _row_spec(nhid)],
        out_specs=[_row_spec(128), _row_spec(1)],
        out_shape=[
            jax.ShapeDtypeStruct((npad, 128), jnp.float32),
            jax.ShapeDtypeStruct((npad, 1), jnp.float32),
        ],
    )(degp, xw0)

    p0 = spmm_h(y0, srcp, dstp, z128)

    pre1, pre2 = pl.pallas_call(
        _tc_hide_body,
        grid=(grid,),
        in_specs=[
            _row_spec(nhid), _row_spec(nhid),
            _full_spec((nhid, nhid)), _full_spec((nhid, ncls)),
        ],
        out_specs=[_row_spec(nhid), _row_spec(ncls)],
        out_shape=[
            jax.ShapeDtypeStruct((npad, nhid), jnp.float32),
            jax.ShapeDtypeStruct((npad, ncls), jnp.float32),
        ],
    )(lin0, lin1, w1a, wca)

    y1 = pl.pallas_call(
        _tc_mid1_body,
        grid=(grid,),
        in_specs=[
            _row_spec(128), _row_spec(128), _row_spec(nhid), _row_spec(1),
            _full_spec((1, nhid)), _full_spec((nhid, nhid)),
        ],
        out_specs=_row_spec(128),
        out_shape=jax.ShapeDtypeStruct((npad, 128), jnp.float32),
    )(p0, y0, pre1, dinv, b0r, w1b)

    p1 = spmm_h(y1, srcp, dstp, z128)

    yc = pl.pallas_call(
        _tc_mid2_body,
        grid=(grid,),
        in_specs=[
            _row_spec(128), _row_spec(128), _row_spec(ncls), _row_spec(1),
            _full_spec((1, nhid)), _full_spec((nhid, ncls)),
        ],
        out_specs=_row_spec(128),
        out_shape=jax.ShapeDtypeStruct((npad, 128), jnp.float32),
    )(p1, y1, pre2, dinv, b1r, wcb)

    pc = spmm_c(yc, srcp, dstp, z128)

    blkp = 2000
    out0, convc = pl.pallas_call(
        _tc_post_body,
        grid=(n // blkp,),
        in_specs=[
            _row_spec(128, blkp), _row_spec(128, blkp), _row_spec(1, blkp),
            _full_spec((1, ncls)),
        ],
        out_specs=[_row_spec(ncls, blkp), _row_spec(ncls, blkp)],
        out_shape=[
            jax.ShapeDtypeStruct((n, ncls), jnp.float32),
            jax.ShapeDtypeStruct((n, ncls), jnp.float32),
        ],
    )(pc, yc, dinv, bcr)

    return (out0, convc)

# --- scband reference (transcript-rebuilt; emitter-appended) ---
"""Pipeline reference for scband-hdsgnn-46291157516821 (READ-ONLY COPY).

The authoritative reference and input builder live on the scoring server;
editing this copy changes nothing except your own understanding.
"""

import jax, jax.numpy as jnp
import numpy as np

N = 10000
E = 320000
F_IN = 128
NHID = 64
NCLS = 40
L = 2
J = 2


def gcn_conv(x, src, dst, W, b, n):
    # PyG GCNConv: x' = xW, add self-loops (done by caller via src/dst), sym-norm, scatter-add, +bias
    xw = x @ W
    deg = jnp.zeros((n,), dtype=x.dtype).at[dst].add(1.0)
    dinv = 1.0 / jnp.sqrt(deg)
    norm = dinv[src] * dinv[dst]
    msg = jnp.take(xw, src, axis=0) * norm[:, None]
    out = jnp.zeros((n, W.shape[1]), dtype=x.dtype).at[dst].add(msg)
    return out + b


def _glorot(k, shape):
    return jax.random.normal(k, shape, dtype=jnp.float32) / jnp.sqrt(shape[0])


def setup_inputs(seed: int = 0):
    key = jax.random.key(seed)
    ks = jax.random.split(key, 12)
    x = jax.random.normal(ks[0], (N, F_IN), dtype=jnp.float32)
    edge_index = jax.random.randint(ks[1], (2, E), 0, N)
    features = jax.random.normal(ks[2], (3, N, F_IN), dtype=jnp.float32)
    W0 = _glorot(ks[3], (F_IN, NHID)); b0 = jnp.zeros((NHID,), dtype=jnp.float32)
    Wl0 = _glorot(ks[4], (F_IN, NHID)); bl0 = jnp.zeros((NHID,), dtype=jnp.float32)
    W1 = _glorot(ks[5], (2 * NHID, NHID)); b1 = jnp.zeros((NHID,), dtype=jnp.float32)
    Wl1 = _glorot(ks[6], (J * F_IN, NHID)); bl1 = jnp.zeros((NHID,), dtype=jnp.float32)
    bound = 1.0 / np.sqrt(J)
    order_weights = jax.random.uniform(ks[7], (J,), minval=-bound, maxval=bound, dtype=jnp.float32)
    Wc = _glorot(ks[8], (2 * NHID, NCLS)); bc = jnp.zeros((NCLS,), dtype=jnp.float32)
    return {"x": x, "edge_index": edge_index, "features": features,
            "W0": W0, "b0": b0, "Wl0": Wl0, "bl0": bl0,
            "W1": W1, "b1": b1, "Wl1": Wl1, "bl1": bl1,
            "order_weights": order_weights, "Wc": Wc, "bc": bc}


def reference(x, edge_index, features, W0, b0, Wl0, bl0, W1, b1, Wl1, bl1, order_weights, Wc, bc):
    n = x.shape[0]
    loop = jnp.arange(n, dtype=edge_index.dtype)
    src = jnp.concatenate([edge_index[0], loop])
    dst = jnp.concatenate([edge_index[1], loop])
    convs = [(W0, b0), (W1, b1)]
    lins = [(Wl0, bl0), (Wl1, bl1)]
    comb = x
    begin = 0
    for i in range(L):
        convx = jax.nn.relu(gcn_conv(comb, src, dst, convs[i][0], convs[i][1], n))
        # dropout is identity in eval mode
        count = J ** i
        lf = features[begin:begin + count]
        if i > 0:
            ow = jnp.tile(order_weights, J ** (i - 1)).reshape(-1, 1, 1)
            lf = ow * lf
        lf = jnp.moveaxis(lf, 0, 1).reshape(n, -1)
        lin = jax.nn.relu(lf @ lins[i][0] + lins[i][1])
        comb = jnp.concatenate([lin, convx], axis=-1)
        begin += count
    convx = gcn_conv(comb, src, dst, Wc, bc, n)
    return (jax.nn.log_softmax(convx, axis=-1), convx)

if __name__ == "__main__":
    import jax
    _d = setup_inputs()
    print(jax.jit(kernel)(*tuple(_d.values())))

</pallas_src>

<mosaic_0001>
#map = affine_map<(d0, d1) -> (0, 0)>
#map1 = affine_map<(d0, d1) -> (0, 0, 0)>
module attributes {stable_mosaic.version = 14 : i64} {
  func.func @body(%arg0: i32, %arg1: i32, %arg2: memref<10240x128xf32, #tpu.memory_space<hbm>>, %arg3: memref<32x80x128xi32, #tpu.memory_space<hbm>>, %arg4: memref<32x80x128xi32, #tpu.memory_space<hbm>>, %arg5: memref<10240x128xf32, #tpu.memory_space<hbm>>, %arg6: memref<10240x128xf32, #tpu.memory_space<hbm>>, %arg7: memref<80x128xi32, #tpu.memory_space<vmem>>, %arg8: memref<80x128xi32, #tpu.memory_space<vmem>>, %arg9: memref<128x64xf32, #tpu.memory_space<vmem>>, %arg10: memref<128x64xf32, #tpu.memory_space<vmem>>, %arg11: memref<!tpu.dma_semaphore, #tpu.memory_space<semaphore_mem>>, %arg12: memref<!tpu.dma_semaphore, #tpu.memory_space<semaphore_mem>>, %arg13: memref<10240x64xf32, #tpu.memory_space<vmem_shared>>, %arg14: memref<10240x64xf32, #tpu.memory_space<vmem_shared>>) attributes {dimension_semantics = [#tpu.dimension_semantics<core_parallel>, #tpu.dimension_semantics<subcore_parallel>], iteration_bounds = array<i64: 2, 16>, scalar_prefetch = 0 : i64, scratch_operands = 8 : i64, tpu.core_type = #tpu.core_type<sc_vector_subcore>, window_params = [{transform_indices = #map}, {transform_indices = #map1}, {transform_indices = #map1}, {transform_indices = #map}, {transform_indices = #map}]} {
    %mul3A = arith.constant 2 : i32
    %mul3A_0 = arith.muli %arg1, %mul3A : i32
    %add3A = arith.addi %mul3A_0, %arg0 : i32
    %mul3A_1 = arith.constant 640 : i32
    %mul3A_2 = arith.muli %arg1, %mul3A_1 : i32
    "tpu.region"() ({
      %run_scoped3A = tpu.sem_alloc : memref<!tpu.dma_semaphore, #tpu.memory_space<semaphore_mem>>
      %dma_start3A_17 = arith.constant 0 : i32
      %dma_start3A_18 = arith.constant 0 : i32
      %dma_start3A_19 = tpu.memref_slice %arg3[%add3A, %dma_start3A_17, %dma_start3A_18] : memref<32x80x128xi32, #tpu.memory_space<hbm>> -> memref<1x80x128xi32, #tpu.memory_space<hbm>>
      %dma_start3A_20 = tpu.memref_squeeze %dma_start3A_19 : memref<1x80x128xi32, #tpu.memory_space<hbm>> -> memref<80x128xi32, #tpu.memory_space<hbm>>
      %dma_start3A_21 = arith.constant 0 : i32
      %dma_start3A_22 = arith.constant 0 : i32
      %dma_start3A_23 = tpu.memref_slice %arg3[%add3A, %dma_start3A_21, %dma_start3A_22] : memref<32x80x128xi32, #tpu.memory_space<hbm>> -> memref<1x80x128xi32, #tpu.memory_space<hbm>>
      %dma_start3A_24 = tpu.memref_squeeze %dma_start3A_23 : memref<1x80x128xi32, #tpu.memory_space<hbm>> -> memref<80x128xi32, #tpu.memory_space<hbm>>
      tpu.enqueue_dma source(%dma_start3A_24 : memref<80x128xi32, #tpu.memory_space<hbm>>) target(%arg7 : memref<80x128xi32, #tpu.memory_space<vmem>>) target_semaphore(%run_scoped3A : memref<!tpu.dma_semaphore, #tpu.memory_space<semaphore_mem>>)
      %dma_wait3A = arith.constant 0 : i32
      %dma_wait3A_25 = arith.constant 0 : i32
      %dma_wait3A_26 = tpu.memref_slice %arg3[%add3A, %dma_wait3A, %dma_wait3A_25] : memref<32x80x128xi32, #tpu.memory_space<hbm>> -> memref<1x80x128xi32, #tpu.memory_space<hbm>>
      %dma_wait3A_27 = tpu.memref_squeeze %dma_wait3A_26 : memref<1x80x128xi32, #tpu.memory_space<hbm>> -> memref<80x128xi32, #tpu.memory_space<hbm>>
      %dma_wait3A_28 = arith.constant 0 : i32
      %dma_wait3A_29 = arith.constant 0 : i32
      %dma_wait3A_30 = tpu.memref_slice %arg3[%add3A, %dma_wait3A_28, %dma_wait3A_29] : memref<32x80x128xi32, #tpu.memory_space<hbm>> -> memref<1x80x128xi32, #tpu.memory_space<hbm>>
      %dma_wait3A_31 = tpu.memref_squeeze %dma_wait3A_30 : memref<1x80x128xi32, #tpu.memory_space<hbm>> -> memref<80x128xi32, #tpu.memory_space<hbm>>
      tpu.wait_dma2 semaphore(%run_scoped3A : memref<!tpu.dma_semaphore, #tpu.memory_space<semaphore_mem>>) src(%dma_wait3A_31 : memref<80x128xi32, #tpu.memory_space<hbm>>) dst(%arg7 : memref<80x128xi32, #tpu.memory_space<vmem>>)
      tpu.yield
    }) : () -> ()
    "tpu.region"() ({
      %run_scoped3A = tpu.sem_alloc : memref<!tpu.dma_semaphore, #tpu.memory_space<semaphore_mem>>
      %dma_start3A_17 = arith.constant 0 : i32
      %dma_start3A_18 = arith.constant 0 : i32
      %dma_start3A_19 = tpu.memref_slice %arg4[%add3A, %dma_start3A_17, %dma_start3A_18] : memref<32x80x128xi32, #tpu.memory_space<hbm>> -> memref<1x80x128xi32, #tpu.memory_space<hbm>>
      %dma_start3A_20 = tpu.memref_squeeze %dma_start3A_19 : memref<1x80x128xi32, #tpu.memory_space<hbm>> -> memref<80x128xi32, #tpu.memory_space<hbm>>
      %dma_start3A_21 = arith.constant 0 : i32
      %dma_start3A_22 = arith.constant 0 : i32
      %dma_start3A_23 = tpu.memref_slice %arg4[%add3A, %dma_start3A_21, %dma_start3A_22] : memref<32x80x128xi32, #tpu.memory_space<hbm>> -> memref<1x80x128xi32, #tpu.memory_space<hbm>>
      %dma_start3A_24 = tpu.memref_squeeze %dma_start3A_23 : memref<1x80x128xi32, #tpu.memory_space<hbm>> -> memref<80x128xi32, #tpu.memory_space<hbm>>
      tpu.enqueue_dma source(%dma_start3A_24 : memref<80x128xi32, #tpu.memory_space<hbm>>) target(%arg8 : memref<80x128xi32, #tpu.memory_space<vmem>>) target_semaphore(%run_scoped3A : memref<!tpu.dma_semaphore, #tpu.memory_space<semaphore_mem>>)
      %dma_wait3A = arith.constant 0 : i32
      %dma_wait3A_25 = arith.constant 0 : i32
      %dma_wait3A_26 = tpu.memref_slice %arg4[%add3A, %dma_wait3A, %dma_wait3A_25] : memref<32x80x128xi32, #tpu.memory_space<hbm>> -> memref<1x80x128xi32, #tpu.memory_space<hbm>>
      %dma_wait3A_27 = tpu.memref_squeeze %dma_wait3A_26 : memref<1x80x128xi32, #tpu.memory_space<hbm>> -> memref<80x128xi32, #tpu.memory_space<hbm>>
      %dma_wait3A_28 = arith.constant 0 : i32
      %dma_wait3A_29 = arith.constant 0 : i32
      %dma_wait3A_30 = tpu.memref_slice %arg4[%add3A, %dma_wait3A_28, %dma_wait3A_29] : memref<32x80x128xi32, #tpu.memory_space<hbm>> -> memref<1x80x128xi32, #tpu.memory_space<hbm>>
      %dma_wait3A_31 = tpu.memref_squeeze %dma_wait3A_30 : memref<1x80x128xi32, #tpu.memory_space<hbm>> -> memref<80x128xi32, #tpu.memory_space<hbm>>
      tpu.wait_dma2 semaphore(%run_scoped3A : memref<!tpu.dma_semaphore, #tpu.memory_space<semaphore_mem>>) src(%dma_wait3A_31 : memref<80x128xi32, #tpu.memory_space<hbm>>) dst(%arg8 : memref<80x128xi32, #tpu.memory_space<vmem>>)
      tpu.yield
    }) : () -> ()
    "tpu.region"() ({
      %run_scoped3A = tpu.sem_alloc : memref<!tpu.dma_semaphore, #tpu.memory_space<semaphore_mem>>
      %dma_start3A_17 = arith.constant 0 : i32
      %dma_start3A_18 = tpu.memref_slice %arg13[%mul3A_2, %dma_start3A_17] : memref<10240x64xf32, #tpu.memory_space<vmem_shared>> -> memref<640x64xf32, #tpu.memory_space<vmem_shared>>
      %dma_start3A_19 = arith.constant 0 : i32
      %dma_start3A_20 = tpu.memref_slice %arg5[%mul3A_2, %dma_start3A_19] : memref<10240x128xf32, #tpu.memory_space<hbm>> -> memref<640x64xf32, #tpu.memory_space<hbm>>
      tpu.enqueue_dma source(%dma_start3A_20 : memref<640x64xf32, #tpu.memory_space<hbm>>) target(%dma_start3A_18 : memref<640x64xf32, #tpu.memory_space<vmem_shared>>) target_semaphore(%run_scoped3A : memref<!tpu.dma_semaphore, #tpu.memory_space<semaphore_mem>>)
      %dma_wait3A = arith.constant 0 : i32
      %dma_wait3A_21 = tpu.memref_slice %arg13[%mul3A_2, %dma_wait3A] : memref<10240x64xf32, #tpu.memory_space<vmem_shared>> -> memref<640x64xf32, #tpu.memory_space<vmem_shared>>
      %dma_wait3A_22 = arith.constant 0 : i32
      %dma_wait3A_23 = tpu.memref_slice %arg5[%mul3A_2, %dma_wait3A_22] : memref<10240x128xf32, #tpu.memory_space<hbm>> -> memref<640x64xf32, #tpu.memory_space<hbm>>
      tpu.wait_dma2 semaphore(%run_scoped3A : memref<!tpu.dma_semaphore, #tpu.memory_space<semaphore_mem>>) src(%dma_wait3A_23 : memref<640x64xf32, #tpu.memory_space<hbm>>) dst(%dma_wait3A_21 : memref<640x64xf32, #tpu.memory_space<vmem_shared>>)
      tpu.yield
    }) : () -> ()
    "tpu.region"() ({
      %run_scoped3A = tpu.sem_alloc : memref<!tpu.dma_semaphore, #tpu.memory_space<semaphore_mem>>
      %dma_start3A_17 = arith.constant 0 : i32
      %dma_start3A_18 = tpu.memref_slice %arg14[%mul3A_2, %dma_start3A_17] : memref<10240x64xf32, #tpu.memory_space<vmem_shared>> -> memref<640x64xf32, #tpu.memory_space<vmem_shared>>
      %dma_start3A_19 = arith.constant 0 : i32
      %dma_start3A_20 = tpu.memref_slice %arg2[%mul3A_2, %dma_start3A_19] : memref<10240x128xf32, #tpu.memory_space<hbm>> -> memref<640x64xf32, #tpu.memory_space<hbm>>
      tpu.enqueue_dma source(%dma_start3A_20 : memref<640x64xf32, #tpu.memory_space<hbm>>) target(%dma_start3A_18 : memref<640x64xf32, #tpu.memory_space<vmem_shared>>) target_semaphore(%run_scoped3A : memref<!tpu.dma_semaphore, #tpu.memory_space<semaphore_mem>>)
      %dma_wait3A = arith.constant 0 : i32
      %dma_wait3A_21 = tpu.memref_slice %arg14[%mul3A_2, %dma_wait3A] : memref<10240x64xf32, #tpu.memory_space<vmem_shared>> -> memref<640x64xf32, #tpu.memory_space<vmem_shared>>
      %dma_wait3A_22 = arith.constant 0 : i32
      %dma_wait3A_23 = tpu.memref_slice %arg2[%mul3A_2, %dma_wait3A_22] : memref<10240x128xf32, #tpu.memory_space<hbm>> -> memref<640x64xf32, #tpu.memory_space<hbm>>
      tpu.wait_dma2 semaphore(%run_scoped3A : memref<!tpu.dma_semaphore, #tpu.memory_space<semaphore_mem>>) src(%dma_wait3A_23 : memref<640x64xf32, #tpu.memory_space<hbm>>) dst(%dma_wait3A_21 : memref<640x64xf32, #tpu.memory_space<vmem_shared>>)
      tpu.yield
    }) : () -> ()
    %barrier3A = arith.constant 0 : index
    tpu.barrier barrier_id(%barrier3A)
    %dma_start3A = arith.constant 0 : i32
    %dma_start3A_3 = arith.constant 0 : i32
    %dma_start3A_4 = tpu.memref_slice %arg7[%dma_start3A, %dma_start3A_3] : memref<80x128xi32, #tpu.memory_space<vmem>> -> memref<1x128xi32, #tpu.memory_space<vmem>>
    %dma_start3A_5 = tpu.memref_squeeze %dma_start3A_4 : memref<1x128xi32, #tpu.memory_space<vmem>> -> memref<128xi32, #tpu.memory_space<vmem>>
    %dma_start3A_6 = arith.constant 0 : i32
    %dma_start3A_7 = arith.constant 0 : i32
    %dma_start3A_8 = tpu.memref_slice %arg14[%dma_start3A_6, %dma_start3A_7] : memref<10240x64xf32, #tpu.memory_space<vmem_shared>> -> memref<10240x64xf32, #tpu.memory_space<vmem_shared>>
    tpu.enqueue_indirect_dma source(%dma_start3A_8 : memref<10240x64xf32, #tpu.memory_space<vmem_shared>>) target(%arg9 : memref<128x64xf32, #tpu.memory_space<vmem>>) offsets(%dma_start3A_5 : memref<128xi32, #tpu.memory_space<vmem>>) semaphore(%arg11 : memref<!tpu.dma_semaphore, #tpu.memory_space<semaphore_mem>>)
    %scan3A = arith.constant 0 : i32
    %scan3A_9 = arith.constant 0 : i32
    %scan3A_10 = arith.constant 40 : i32
    %scan3A_11 = arith.addi %scan3A_9, %scan3A_10 : i32
    %scan3A_12 = arith.constant 1 : i32
    scf.for %scan3A_17 = %scan3A_9 to %scan3A_11 step %scan3A_12  : i32 {
      %mul3A_18 = arith.constant 2 : i32
      %mul3A_19 = arith.muli %scan3A_17, %mul3A_18 : i32
      %add3A_20 = arith.constant 0 : i32
      %add3A_21 = arith.addi %mul3A_19, %add3A_20 : i32
      %dma_wait3A = arith.constant 0 : i32
      %dma_wait3A_22 = tpu.memref_slice %arg7[%add3A_21, %dma_wait3A] : memref<80x128xi32, #tpu.memory_space<vmem>> -> memref<1x128xi32, #tpu.memory_space<vmem>>
      %dma_wait3A_23 = tpu.memref_squeeze %dma_wait3A_22 : memref<1x128xi32, #tpu.memory_space<vmem>> -> memref<128xi32, #tpu.memory_space<vmem>>
      %dma_wait3A_24 = arith.constant 0 : i32
      %dma_wait3A_25 = arith.constant 0 : i32
      %dma_wait3A_26 = tpu.memref_slice %arg14[%dma_wait3A_24, %dma_wait3A_25] : memref<10240x64xf32, #tpu.memory_space<vmem_shared>> -> memref<10240x64xf32, #tpu.memory_space<vmem_shared>>
      tpu.wait_indirect_dma semaphore(%arg11 : memref<!tpu.dma_semaphore, #tpu.memory_space<semaphore_mem>>) src(%dma_wait3A_26 : memref<10240x64xf32, #tpu.memory_space<vmem_shared>>) dst(%arg9 : memref<128x64xf32, #tpu.memory_space<vmem>>)
      %add3A_27 = arith.constant 2 : i32
      %add3A_28 = arith.addi %add3A_21, %add3A_27 : i32
      %sub3A = arith.constant 1 : i32
      %sub3A_29 = arith.subi %add3A_28, %sub3A : i32
      %lt3A = arith.constant 80 : i32
      %lt3A_30 = arith.cmpi slt, %sub3A_29, %lt3A : i32
      %convert_element_type3A = arith.extui %lt3A_30 : i1 to i32
      %cond3A = arith.constant 0 : i32
      %cond3A_31 = arith.cmpi ne, %convert_element_type3A, %cond3A : i32
      scf.if %cond3A_31 {
        %add3A_49 = arith.constant 2 : i32
        %add3A_50 = arith.addi %add3A_21, %add3A_49 : i32
        %sub3A_51 = arith.constant 1 : i32
        %sub3A_52 = arith.subi %add3A_50, %sub3A_51 : i32
        %dma_start3A_53 = arith.constant 0 : i32
        %dma_start3A_54 = tpu.memref_slice %arg7[%sub3A_52, %dma_start3A_53] : memref<80x128xi32, #tpu.memory_space<vmem>> -> memref<1x128xi32, #tpu.memory_space<vmem>>
        %dma_start3A_55 = tpu.memref_squeeze %dma_start3A_54 : memref<1x128xi32, #tpu.memory_space<vmem>> -> memref<128xi32, #tpu.memory_space<vmem>>
        %dma_start3A_56 = arith.constant 0 : i32
        %dma_start3A_57 = arith.constant 0 : i32
        %dma_start3A_58 = tpu.memref_slice %arg14[%dma_start3A_56, %dma_start3A_57] : memref<10240x64xf32, #tpu.memory_space<vmem_shared>> -> memref<10240x64xf32, #tpu.memory_space<vmem_shared>>
        tpu.enqueue_indirect_dma source(%dma_start3A_58 : memref<10240x64xf32, #tpu.memory_space<vmem_shared>>) target(%arg10 : memref<128x64xf32, #tpu.memory_space<vmem>>) offsets(%dma_start3A_55 : memref<128xi32, #tpu.memory_space<vmem>>) semaphore(%arg12 : memref<!tpu.dma_semaphore, #tpu.memory_space<semaphore_mem>>)
      } else {
      }
      "tpu.region"() ({
        %run_scoped3A = tpu.sem_alloc : memref<!tpu.dma_semaphore, #tpu.memory_space<semaphore_mem>>
        %dma_start3A_49 = arith.constant 0 : i32
        %dma_start3A_50 = tpu.memref_slice %arg8[%add3A_21, %dma_start3A_49] : memref<80x128xi32, #tpu.memory_space<vmem>> -> memref<1x128xi32, #tpu.memory_space<vmem>>
        %dma_start3A_51 = tpu.memref_squeeze %dma_start3A_50 : memref<1x128xi32, #tpu.memory_space<vmem>> -> memref<128xi32, #tpu.memory_space<vmem>>
        %dma_start3A_52 = arith.constant 0 : i32
        %dma_start3A_53 = arith.constant 0 : i32
        %dma_start3A_54 = tpu.memref_slice %arg13[%dma_start3A_52, %dma_start3A_53] : memref<10240x64xf32, #tpu.memory_space<vmem_shared>> -> memref<10240x64xf32, #tpu.memory_space<vmem_shared>>
        tpu.enqueue_indirect_dma source(%arg9 : memref<128x64xf32, #tpu.memory_space<vmem>>) target(%dma_start3A_54 : memref<10240x64xf32, #tpu.memory_space<vmem_shared>>) offsets(%dma_start3A_51 : memref<128xi32, #tpu.memory_space<vmem>>) semaphore(%run_scoped3A : memref<!tpu.dma_semaphore, #tpu.memory_space<semaphore_mem>>) {add = true}
        %dma_wait3A_55 = arith.constant 0 : i32
        %dma_wait3A_56 = tpu.memref_slice %arg8[%add3A_21, %dma_wait3A_55] : memref<80x128xi32, #tpu.memory_space<vmem>> -> memref<1x128xi32, #tpu.memory_space<vmem>>
        %dma_wait3A_57 = tpu.memref_squeeze %dma_wait3A_56 : memref<1x128xi32, #tpu.memory_space<vmem>> -> memref<128xi32, #tpu.memory_space<vmem>>
        %dma_wait3A_58 = arith.constant 0 : i32
        %dma_wait3A_59 = arith.constant 0 : i32
        %dma_wait3A_60 = tpu.memref_slice %arg13[%dma_wait3A_58, %dma_wait3A_59] : memref<10240x64xf32, #tpu.memory_space<vmem_shared>> -> memref<10240x64xf32, #tpu.memory_space<vmem_shared>>
        tpu.wait_indirect_dma semaphore(%run_scoped3A : memref<!tpu.dma_semaphore, #tpu.memory_space<semaphore_mem>>) src(%arg9 : memref<128x64xf32, #tpu.memory_space<vmem>>) dst(%dma_wait3A_60 : memref<10240x64xf32, #tpu.memory_space<vmem_shared>>)
        tpu.yield
      }) : () -> ()
      %add3A_32 = arith.constant 1 : i32
      %add3A_33 = arith.addi %mul3A_19, %add3A_32 : i32
      %dma_wait3A_34 = arith.constant 0 : i32
      %dma_wait3A_35 = tpu.memref_slice %arg7[%add3A_33, %dma_wait3A_34] : memref<80x128xi32, #tpu.memory_space<vmem>> -> memref<1x128xi32, #tpu.memory_space<vmem>>
      %dma_wait3A_36 = tpu.memref_squeeze %dma_wait3A_35 : memref<1x128xi32, #tpu.memory_space<vmem>> -> memref<128xi32, #tpu.memory_space<vmem>>
      %dma_wait3A_37 = arith.constant 0 : i32
      %dma_wait3A_38 = arith.constant 0 : i32
      %dma_wait3A_39 = tpu.memref_slice %arg14[%dma_wait3A_37, %dma_wait3A_38] : memref<10240x64xf32, #tpu.memory_space<vmem_shared>> -> memref<10240x64xf32, #tpu.memory_space<vmem_shared>>
      tpu.wait_indirect_dma semaphore(%arg12 : memref<!tpu.dma_semaphore, #tpu.memory_space<semaphore_mem>>) src(%dma_wait3A_39 : memref<10240x64xf32, #tpu.memory_space<vmem_shared>>) dst(%arg10 : memref<128x64xf32, #tpu.memory_space<vmem>>)
      %add3A_40 = arith.constant 2 : i32
      %add3A_41 = arith.addi %add3A_33, %add3A_40 : i32
      %sub3A_42 = arith.constant 1 : i32
      %sub3A_43 = arith.subi %add3A_41, %sub3A_42 : i32
      %lt3A_44 = arith.constant 80 : i32
      %lt3A_45 = arith.cmpi slt, %sub3A_43, %lt3A_44 : i32
      %convert_element_type3A_46 = arith.extui %lt3A_45 : i1 to i32
      %cond3A_47 = arith.constant 0 : i32
      %cond3A_48 = arith.cmpi ne, %convert_element_type3A_46, %cond3A_47 : i32
      scf.if %cond3A_48 {
        %add3A_49 = arith.constant 2 : i32
        %add3A_50 = arith.addi %add3A_33, %add3A_49 : i32
        %sub3A_51 = arith.constant 1 : i32
        %sub3A_52 = arith.subi %add3A_50, %sub3A_51 : i32
        %dma_start3A_53 = arith.constant 0 : i32
        %dma_start3A_54 = tpu.memref_slice %arg7[%sub3A_52, %dma_start3A_53] : memref<80x128xi32, #tpu.memory_space<vmem>> -> memref<1x128xi32, #tpu.memory_space<vmem>>
        %dma_start3A_55 = tpu.memref_squeeze %dma_start3A_54 : memref<1x128xi32, #tpu.memory_space<vmem>> -> memref<128xi32, #tpu.memory_space<vmem>>
        %dma_start3A_56 = arith.constant 0 : i32
        %dma_start3A_57 = arith.constant 0 : i32
        %dma_start3A_58 = tpu.memref_slice %arg14[%dma_start3A_56, %dma_start3A_57] : memref<10240x64xf32, #tpu.memory_space<vmem_shared>> -> memref<10240x64xf32, #tpu.memory_space<vmem_shared>>
        tpu.enqueue_indirect_dma source(%dma_start3A_58 : memref<10240x64xf32, #tpu.memory_space<vmem_shared>>) target(%arg9 : memref<128x64xf32, #tpu.memory_space<vmem>>) offsets(%dma_start3A_55 : memref<128xi32, #tpu.memory_space<vmem>>) semaphore(%arg11 : memref<!tpu.dma_semaphore, #tpu.memory_space<semaphore_mem>>)
      } else {
      }
      "tpu.region"() ({
        %run_scoped3A = tpu.sem_alloc : memref<!tpu.dma_semaphore, #tpu.memory_space<semaphore_mem>>
        %dma_start3A_49 = arith.constant 0 : i32
        %dma_start3A_50 = tpu.memref_slice %arg8[%add3A_33, %dma_start3A_49] : memref<80x128xi32, #tpu.memory_space<vmem>> -> memref<1x128xi32, #tpu.memory_space<vmem>>
        %dma_start3A_51 = tpu.memref_squeeze %dma_start3A_50 : memref<1x128xi32, #tpu.memory_space<vmem>> -> memref<128xi32, #tpu.memory_space<vmem>>
        %dma_start3A_52 = arith.constant 0 : i32
        %dma_start3A_53 = arith.constant 0 : i32
        %dma_start3A_54 = tpu.memref_slice %arg13[%dma_start3A_52, %dma_start3A_53] : memref<10240x64xf32, #tpu.memory_space<vmem_shared>> -> memref<10240x64xf32, #tpu.memory_space<vmem_shared>>
        tpu.enqueue_indirect_dma source(%arg10 : memref<128x64xf32, #tpu.memory_space<vmem>>) target(%dma_start3A_54 : memref<10240x64xf32, #tpu.memory_space<vmem_shared>>) offsets(%dma_start3A_51 : memref<128xi32, #tpu.memory_space<vmem>>) semaphore(%run_scoped3A : memref<!tpu.dma_semaphore, #tpu.memory_space<semaphore_mem>>) {add = true}
        %dma_wait3A_55 = arith.constant 0 : i32
        %dma_wait3A_56 = tpu.memref_slice %arg8[%add3A_33, %dma_wait3A_55] : memref<80x128xi32, #tpu.memory_space<vmem>> -> memref<1x128xi32, #tpu.memory_space<vmem>>
        %dma_wait3A_57 = tpu.memref_squeeze %dma_wait3A_56 : memref<1x128xi32, #tpu.memory_space<vmem>> -> memref<128xi32, #tpu.memory_space<vmem>>
        %dma_wait3A_58 = arith.constant 0 : i32
        %dma_wait3A_59 = arith.constant 0 : i32
        %dma_wait3A_60 = tpu.memref_slice %arg13[%dma_wait3A_58, %dma_wait3A_59] : memref<10240x64xf32, #tpu.memory_space<vmem_shared>> -> memref<10240x64xf32, #tpu.memory_space<vmem_shared>>
        tpu.wait_indirect_dma semaphore(%run_scoped3A : memref<!tpu.dma_semaphore, #tpu.memory_space<semaphore_mem>>) src(%arg10 : memref<128x64xf32, #tpu.memory_space<vmem>>) dst(%dma_wait3A_60 : memref<10240x64xf32, #tpu.memory_space<vmem_shared>>)
        tpu.yield
      }) : () -> ()
    }
    %scan3A_13 = arith.constant 40 : i32
    %barrier3A_14 = arith.constant 0 : index
    tpu.barrier barrier_id(%barrier3A_14)
    %mul3A_15 = arith.constant 64 : i32
    %mul3A_16 = arith.muli %arg0, %mul3A_15 : i32
    "tpu.region"() ({
      %run_scoped3A = tpu.sem_alloc : memref<!tpu.dma_semaphore, #tpu.memory_space<semaphore_mem>>
      %dma_start3A_17 = tpu.memref_slice %arg6[%mul3A_2, %mul3A_16] : memref<10240x128xf32, #tpu.memory_space<hbm>> -> memref<640x64xf32, #tpu.memory_space<hbm>>
      %dma_start3A_18 = arith.constant 0 : i32
      %dma_start3A_19 = tpu.memref_slice %arg13[%mul3A_2, %dma_start3A_18] : memref<10240x64xf32, #tpu.memory_space<vmem_shared>> -> memref<640x64xf32, #tpu.memory_space<vmem_shared>>
      tpu.enqueue_dma source(%dma_start3A_19 : memref<640x64xf32, #tpu.memory_space<vmem_shared>>) target(%dma_start3A_17 : memref<640x64xf32, #tpu.memory_space<hbm>>) target_semaphore(%run_scoped3A : memref<!tpu.dma_semaphore, #tpu.memory_space<semaphore_mem>>)
      %dma_wait3A = tpu.memref_slice %arg6[%mul3A_2, %mul3A_16] : memref<10240x128xf32, #tpu.memory_space<hbm>> -> memref<640x64xf32, #tpu.memory_space<hbm>>
      %dma_wait3A_20 = arith.constant 0 : i32
      %dma_wait3A_21 = tpu.memref_slice %arg13[%mul3A_2, %dma_wait3A_20] : memref<10240x64xf32, #tpu.memory_space<vmem_shared>> -> memref<640x64xf32, #tpu.memory_space<vmem_shared>>
      tpu.wait_dma2 semaphore(%run_scoped3A : memref<!tpu.dma_semaphore, #tpu.memory_space<semaphore_mem>>) src(%dma_wait3A_21 : memref<640x64xf32, #tpu.memory_space<vmem_shared>>) dst(%dma_wait3A : memref<640x64xf32, #tpu.memory_space<hbm>>)
      tpu.yield
    }) : () -> ()
    return
  }
}

#map = affine_map<(d0, d1) -> (0, 0)>
#map1 = affine_map<(d0, d1) -> (0, 0, 0)>
module attributes {stable_mosaic.version = 14 : i64} {
  func.func @body(%arg0: i32, %arg1: i32, %arg2: memref<10240x128xf32, #tpu.memory_space<hbm>>, %arg3: memref<32x80x128xi32, #tpu.memory_space<hbm>>, %arg4: memref<32x80x128xi32, #tpu.memory_space<hbm>>, %arg5: memref<10240x128xf32, #tpu.memory_space<hbm>>, %arg6: memref<10240x128xf32, #tpu.memory_space<hbm>>, %arg7: memref<80x128xi32, #tpu.memory_space<vmem>>, %arg8: memref<80x128xi32, #tpu.memory_space<vmem>>, %arg9: memref<128x64xf32, #tpu.memory_space<vmem>>, %arg10: memref<128x64xf32, #tpu.memory_space<vmem>>, %arg11: memref<!tpu.dma_semaphore, #tpu.memory_space<semaphore_mem>>, %arg12: memref<!tpu.dma_semaphore, #tpu.memory_space<semaphore_mem>>, %arg13: memref<10240x64xf32, #tpu.memory_space<vmem_shared>>, %arg14: memref<10240x64xf32, #tpu.memory_space<vmem_shared>>) attributes {dimension_semantics = [#tpu.dimension_semantics<core_parallel>, #tpu.dimension_semantics<subcore_parallel>], iteration_bounds = array<i64: 2, 16>, scalar_prefetch = 0 : i64, scratch_operands = 8 : i64, tpu.core_type = #tpu.core_type<sc_vector_subcore>, window_params = [{transform_indices = #map}, {transform_indices = #map1}, {transform_indices = #map1}, {transform_indices = #map}, {transform_indices = #map}]} {
    %mul3A = arith.constant 2 : i32
    %mul3A_0 = arith.muli %arg1, %mul3A : i32
    %add3A = arith.addi %mul3A_0, %arg0 : i32
    %mul3A_1 = arith.constant 640 : i32
    %mul3A_2 = arith.muli %arg1, %mul3A_1 : i32
    "tpu.region"() ({
      %run_scoped3A = tpu.sem_alloc : memref<!tpu.dma_semaphore, #tpu.memory_space<semaphore_mem>>
      %dma_start3A_17 = arith.constant 0 : i32
      %dma_start3A_18 = arith.constant 0 : i32
      %dma_start3A_19 = tpu.memref_slice %arg3[%add3A, %dma_start3A_17, %dma_start3A_18] : memref<32x80x128xi32, #tpu.memory_space<hbm>> -> memref<1x80x128xi32, #tpu.memory_space<hbm>>
      %dma_start3A_20 = tpu.memref_squeeze %dma_start3A_19 : memref<1x80x128xi32, #tpu.memory_space<hbm>> -> memref<80x128xi32, #tpu.memory_space<hbm>>
      %dma_start3A_21 = arith.constant 0 : i32
      %dma_start3A_22 = arith.constant 0 : i32
      %dma_start3A_23 = tpu.memref_slice %arg3[%add3A, %dma_start3A_21, %dma_start3A_22] : memref<32x80x128xi32, #tpu.memory_space<hbm>> -> memref<1x80x128xi32, #tpu.memory_space<hbm>>
      %dma_start3A_24 = tpu.memref_squeeze %dma_start3A_23 : memref<1x80x128xi32, #tpu.memory_space<hbm>> -> memref<80x128xi32, #tpu.memory_space<hbm>>
      tpu.enqueue_dma source(%dma_start3A_24 : memref<80x128xi32, #tpu.memory_space<hbm>>) target(%arg7 : memref<80x128xi32, #tpu.memory_space<vmem>>) target_semaphore(%run_scoped3A : memref<!tpu.dma_semaphore, #tpu.memory_space<semaphore_mem>>)
      %dma_wait3A = arith.constant 0 : i32
      %dma_wait3A_25 = arith.constant 0 : i32
      %dma_wait3A_26 = tpu.memref_slice %arg3[%add3A, %dma_wait3A, %dma_wait3A_25] : memref<32x80x128xi32, #tpu.memory_space<hbm>> -> memref<1x80x128xi32, #tpu.memory_space<hbm>>
      %dma_wait3A_27 = tpu.memref_squeeze %dma_wait3A_26 : memref<1x80x128xi32, #tpu.memory_space<hbm>> -> memref<80x128xi32, #tpu.memory_space<hbm>>
      %dma_wait3A_28 = arith.constant 0 : i32
      %dma_wait3A_29 = arith.constant 0 : i32
      %dma_wait3A_30 = tpu.memref_slice %arg3[%add3A, %dma_wait3A_28, %dma_wait3A_29] : memref<32x80x128xi32, #tpu.memory_space<hbm>> -> memref<1x80x128xi32, #tpu.memory_space<hbm>>
      %dma_wait3A_31 = tpu.memref_squeeze %dma_wait3A_30 : memref<1x80x128xi32, #tpu.memory_space<hbm>> -> memref<80x128xi32, #tpu.memory_space<hbm>>
      tpu.wait_dma2 semaphore(%run_scoped3A : memref<!tpu.dma_semaphore, #tpu.memory_space<semaphore_mem>>) src(%dma_wait3A_31 : memref<80x128xi32, #tpu.memory_space<hbm>>) dst(%arg7 : memref<80x128xi32, #tpu.memory_space<vmem>>)
      tpu.yield
    }) : () -> ()
    "tpu.region"() ({
      %run_scoped3A = tpu.sem_alloc : memref<!tpu.dma_semaphore, #tpu.memory_space<semaphore_mem>>
      %dma_start3A_17 = arith.constant 0 : i32
      %dma_start3A_18 = arith.constant 0 : i32
      %dma_start3A_19 = tpu.memref_slice %arg4[%add3A, %dma_start3A_17, %dma_start3A_18] : memref<32x80x128xi32, #tpu.memory_space<hbm>> -> memref<1x80x128xi32, #tpu.memory_space<hbm>>
      %dma_start3A_20 = tpu.memref_squeeze %dma_start3A_19 : memref<1x80x128xi32, #tpu.memory_space<hbm>> -> memref<80x128xi32, #tpu.memory_space<hbm>>
      %dma_start3A_21 = arith.constant 0 : i32
      %dma_start3A_22 = arith.constant 0 : i32
      %dma_start3A_23 = tpu.memref_slice %arg4[%add3A, %dma_start3A_21, %dma_start3A_22] : memref<32x80x128xi32, #tpu.memory_space<hbm>> -> memref<1x80x128xi32, #tpu.memory_space<hbm>>
      %dma_start3A_24 = tpu.memref_squeeze %dma_start3A_23 : memref<1x80x128xi32, #tpu.memory_space<hbm>> -> memref<80x128xi32, #tpu.memory_space<hbm>>
      tpu.enqueue_dma source(%dma_start3A_24 : memref<80x128xi32, #tpu.memory_space<hbm>>) target(%arg8 : memref<80x128xi32, #tpu.memory_space<vmem>>) target_semaphore(%run_scoped3A : memref<!tpu.dma_semaphore, #tpu.memory_space<semaphore_mem>>)
      %dma_wait3A = arith.constant 0 : i32
      %dma_wait3A_25 = arith.constant 0 : i32
      %dma_wait3A_26 = tpu.memref_slice %arg4[%add3A, %dma_wait3A, %dma_wait3A_25] : memref<32x80x128xi32, #tpu.memory_space<hbm>> -> memref<1x80x128xi32, #tpu.memory_space<hbm>>
      %dma_wait3A_27 = tpu.memref_squeeze %dma_wait3A_26 : memref<1x80x128xi32, #tpu.memory_space<hbm>> -> memref<80x128xi32, #tpu.memory_space<hbm>>
      %dma_wait3A_28 = arith.constant 0 : i32
      %dma_wait3A_29 = arith.constant 0 : i32
      %dma_wait3A_30 = tpu.memref_slice %arg4[%add3A, %dma_wait3A_28, %dma_wait3A_29] : memref<32x80x128xi32, #tpu.memory_space<hbm>> -> memref<1x80x128xi32, #tpu.memory_space<hbm>>
      %dma_wait3A_31 = tpu.memref_squeeze %dma_wait3A_30 : memref<1x80x128xi32, #tpu.memory_space<hbm>> -> memref<80x128xi32, #tpu.memory_space<hbm>>
      tpu.wait_dma2 semaphore(%run_scoped3A : memref<!tpu.dma_semaphore, #tpu.memory_space<semaphore_mem>>) src(%dma_wait3A_31 : memref<80x128xi32, #tpu.memory_space<hbm>>) dst(%arg8 : memref<80x128xi32, #tpu.memory_space<vmem>>)
      tpu.yield
    }) : () -> ()
    "tpu.region"() ({
      %run_scoped3A = tpu.sem_alloc : memref<!tpu.dma_semaphore, #tpu.memory_space<semaphore_mem>>
      %dma_start3A_17 = arith.constant 0 : i32
      %dma_start3A_18 = tpu.memref_slice %arg13[%mul3A_2, %dma_start3A_17] : memref<10240x64xf32, #tpu.memory_space<vmem_shared>> -> memref<640x64xf32, #tpu.memory_space<vmem_shared>>
      %dma_start3A_19 = arith.constant 0 : i32
      %dma_start3A_20 = tpu.memref_slice %arg5[%mul3A_2, %dma_start3A_19] : memref<10240x128xf32, #tpu.memory_space<hbm>> -> memref<640x64xf32, #tpu.memory_space<hbm>>
      tpu.enqueue_dma source(%dma_start3A_20 : memref<640x64xf32, #tpu.memory_space<hbm>>) target(%dma_start3A_18 : memref<640x64xf32, #tpu.memory_space<vmem_shared>>) target_semaphore(%run_scoped3A : memref<!tpu.dma_semaphore, #tpu.memory_space<semaphore_mem>>)
      %dma_wait3A = arith.constant 0 : i32
      %dma_wait3A_21 = tpu.memref_slice %arg13[%mul3A_2, %dma_wait3A] : memref<10240x64xf32, #tpu.memory_space<vmem_shared>> -> memref<640x64xf32, #tpu.memory_space<vmem_shared>>
      %dma_wait3A_22 = arith.constant 0 : i32
      %dma_wait3A_23 = tpu.memref_slice %arg5[%mul3A_2, %dma_wait3A_22] : memref<10240x128xf32, #tpu.memory_space<hbm>> -> memref<640x64xf32, #tpu.memory_space<hbm>>
      tpu.wait_dma2 semaphore(%run_scoped3A : memref<!tpu.dma_semaphore, #tpu.memory_space<semaphore_mem>>) src(%dma_wait3A_23 : memref<640x64xf32, #tpu.memory_space<hbm>>) dst(%dma_wait3A_21 : memref<640x64xf32, #tpu.memory_space<vmem_shared>>)
      tpu.yield
    }) : () -> ()
    "tpu.region"() ({
      %run_scoped3A = tpu.sem_alloc : memref<!tpu.dma_semaphore, #tpu.memory_space<semaphore_mem>>
      %dma_start3A_17 = arith.constant 0 : i32
      %dma_start3A_18 = tpu.memref_slice %arg14[%mul3A_2, %dma_start3A_17] : memref<10240x64xf32, #tpu.memory_space<vmem_shared>> -> memref<640x64xf32, #tpu.memory_space<vmem_shared>>
      %dma_start3A_19 = arith.constant 0 : i32
      %dma_start3A_20 = tpu.memref_slice %arg2[%mul3A_2, %dma_start3A_19] : memref<10240x128xf32, #tpu.memory_space<hbm>> -> memref<640x64xf32, #tpu.memory_space<hbm>>
      tpu.enqueue_dma source(%dma_start3A_20 : memref<640x64xf32, #tpu.memory_space<hbm>>) target(%dma_start3A_18 : memref<640x64xf32, #tpu.memory_space<vmem_shared>>) target_semaphore(%run_scoped3A : memref<!tpu.dma_semaphore, #tpu.memory_space<semaphore_mem>>)
      %dma_wait3A = arith.constant 0 : i32
      %dma_wait3A_21 = tpu.memref_slice %arg14[%mul3A_2, %dma_wait3A] : memref<10240x64xf32, #tpu.memory_space<vmem_shared>> -> memref<640x64xf32, #tpu.memory_space<vmem_shared>>
      %dma_wait3A_22 = arith.constant 0 : i32
      %dma_wait3A_23 = tpu.memref_slice %arg2[%mul3A_2, %dma_wait3A_22] : memref<10240x128xf32, #tpu.memory_space<hbm>> -> memref<640x64xf32, #tpu.memory_space<hbm>>
      tpu.wait_dma2 semaphore(%run_scoped3A : memref<!tpu.dma_semaphore, #tpu.memory_space<semaphore_mem>>) src(%dma_wait3A_23 : memref<640x64xf32, #tpu.memory_space<hbm>>) dst(%dma_wait3A_21 : memref<640x64xf32, #tpu.memory_space<vmem_shared>>)
      tpu.yield
    }) : () -> ()
    %barrier3A = arith.constant 0 : index
    tpu.barrier barrier_id(%barrier3A)
    %dma_start3A = arith.constant 0 : i32
    %dma_start3A_3 = arith.constant 0 : i32
    %dma_start3A_4 = tpu.memref_slice %arg7[%dma_start3A, %dma_start3A_3] : memref<80x128xi32, #tpu.memory_space<vmem>> -> memref<1x128xi32, #tpu.memory_space<vmem>>
    %dma_start3A_5 = tpu.memref_squeeze %dma_start3A_4 : memref<1x128xi32, #tpu.memory_space<vmem>> -> memref<128xi32, #tpu.memory_space<vmem>>
    %dma_start3A_6 = arith.constant 0 : i32
    %dma_start3A_7 = arith.constant 0 : i32
    %dma_start3A_8 = tpu.memref_slice %arg14[%dma_start3A_6, %dma_start3A_7] : memref<10240x64xf32, #tpu.memory_space<vmem_shared>> -> memref<10240x64xf32, #tpu.memory_space<vmem_shared>>
    tpu.enqueue_indirect_dma source(%dma_start3A_8 : memref<10240x64xf32, #tpu.memory_space<vmem_shared>>) target(%arg9 : memref<128x64xf32, #tpu.memory_space<vmem>>) offsets(%dma_start3A_5 : memref<128xi32, #tpu.memory_space<vmem>>) semaphore(%arg11 : memref<!tpu.dma_semaphore, #tpu.memory_space<semaphore_mem>>)
    %scan3A = arith.constant 0 : i32
    %scan3A_9 = arith.constant 0 : i32
    %scan3A_10 = arith.constant 40 : i32
    %scan3A_11 = arith.addi %scan3A_9, %scan3A_10 : i32
    %scan3A_12 = arith.constant 1 : i32
    scf.for %scan3A_17 = %scan3A_9 to %scan3A_11 step %scan3A_12  : i32 {
      %mul3A_18 = arith.constant 2 : i32
      %mul3A_19 = arith.muli %scan3A_17, %mul3A_18 : i32
      %add3A_20 = arith.constant 0 : i32
      %add3A_21 = arith.addi %mul3A_19, %add3A_20 : i32
      %dma_wait3A = arith.constant 0 : i32
      %dma_wait3A_22 = tpu.memref_slice %arg7[%add3A_21, %dma_wait3A] : memref<80x128xi32, #tpu.memory_space<vmem>> -> memref<1x128xi32, #tpu.memory_space<vmem>>
      %dma_wait3A_23 = tpu.memref_squeeze %dma_wait3A_22 : memref<1x128xi32, #tpu.memory_space<vmem>> -> memref<128xi32, #tpu.memory_space<vmem>>
      %dma_wait3A_24 = arith.constant 0 : i32
      %dma_wait3A_25 = arith.constant 0 : i32
      %dma_wait3A_26 = tpu.memref_slice %arg14[%dma_wait3A_24, %dma_wait3A_25] : memref<10240x64xf32, #tpu.memory_space<vmem_shared>> -> memref<10240x64xf32, #tpu.memory_space<vmem_shared>>
      tpu.wait_indirect_dma semaphore(%arg11 : memref<!tpu.dma_semaphore, #tpu.memory_space<semaphore_mem>>) src(%dma_wait3A_26 : memref<10240x64xf32, #tpu.memory_space<vmem_shared>>) dst(%arg9 : memref<128x64xf32, #tpu.memory_space<vmem>>)
      %add3A_27 = arith.constant 2 : i32
      %add3A_28 = arith.addi %add3A_21, %add3A_27 : i32
      %sub3A = arith.constant 1 : i32
      %sub3A_29 = arith.subi %add3A_28, %sub3A : i32
      %lt3A = arith.constant 80 : i32
      %lt3A_30 = arith.cmpi slt, %sub3A_29, %lt3A : i32
      %convert_element_type3A = arith.extui %lt3A_30 : i1 to i32
      %cond3A = arith.constant 0 : i32
      %cond3A_31 = arith.cmpi ne, %convert_element_type3A, %cond3A : i32
      scf.if %cond3A_31 {
        %add3A_49 = arith.constant 2 : i32
        %add3A_50 = arith.addi %add3A_21, %add3A_49 : i32
        %sub3A_51 = arith.constant 1 : i32
        %sub3A_52 = arith.subi %add3A_50, %sub3A_51 : i32
        %dma_start3A_53 = arith.constant 0 : i32
        %dma_start3A_54 = tpu.memref_slice %arg7[%sub3A_52, %dma_start3A_53] : memref<80x128xi32, #tpu.memory_space<vmem>> -> memref<1x128xi32, #tpu.memory_space<vmem>>
        %dma_start3A_55 = tpu.memref_squeeze %dma_start3A_54 : memref<1x128xi32, #tpu.memory_space<vmem>> -> memref<128xi32, #tpu.memory_space<vmem>>
        %dma_start3A_56 = arith.constant 0 : i32
        %dma_start3A_57 = arith.constant 0 : i32
        %dma_start3A_58 = tpu.memref_slice %arg14[%dma_start3A_56, %dma_start3A_57] : memref<10240x64xf32, #tpu.memory_space<vmem_shared>> -> memref<10240x64xf32, #tpu.memory_space<vmem_shared>>
        tpu.enqueue_indirect_dma source(%dma_start3A_58 : memref<10240x64xf32, #tpu.memory_space<vmem_shared>>) target(%arg10 : memref<128x64xf32, #tpu.memory_space<vmem>>) offsets(%dma_start3A_55 : memref<128xi32, #tpu.memory_space<vmem>>) semaphore(%arg12 : memref<!tpu.dma_semaphore, #tpu.memory_space<semaphore_mem>>)
      } else {
      }
      "tpu.region"() ({
        %run_scoped3A = tpu.sem_alloc : memref<!tpu.dma_semaphore, #tpu.memory_space<semaphore_mem>>
        %dma_start3A_49 = arith.constant 0 : i32
        %dma_start3A_50 = tpu.memref_slice %arg8[%add3A_21, %dma_start3A_49] : memref<80x128xi32, #tpu.memory_space<vmem>> -> memref<1x128xi32, #tpu.memory_space<vmem>>
        %dma_start3A_51 = tpu.memref_squeeze %dma_start3A_50 : memref<1x128xi32, #tpu.memory_space<vmem>> -> memref<128xi32, #tpu.memory_space<vmem>>
        %dma_start3A_52 = arith.constant 0 : i32
        %dma_start3A_53 = arith.constant 0 : i32
        %dma_start3A_54 = tpu.memref_slice %arg13[%dma_start3A_52, %dma_start3A_53] : memref<10240x64xf32, #tpu.memory_space<vmem_shared>> -> memref<10240x64xf32, #tpu.memory_space<vmem_shared>>
        tpu.enqueue_indirect_dma source(%arg9 : memref<128x64xf32, #tpu.memory_space<vmem>>) target(%dma_start3A_54 : memref<10240x64xf32, #tpu.memory_space<vmem_shared>>) offsets(%dma_start3A_51 : memref<128xi32, #tpu.memory_space<vmem>>) semaphore(%run_scoped3A : memref<!tpu.dma_semaphore, #tpu.memory_space<semaphore_mem>>) {add = true}
        %dma_wait3A_55 = arith.constant 0 : i32
        %dma_wait3A_56 = tpu.memref_slice %arg8[%add3A_21, %dma_wait3A_55] : memref<80x128xi32, #tpu.memory_space<vmem>> -> memref<1x128xi32, #tpu.memory_space<vmem>>
        %dma_wait3A_57 = tpu.memref_squeeze %dma_wait3A_56 : memref<1x128xi32, #tpu.memory_space<vmem>> -> memref<128xi32, #tpu.memory_space<vmem>>
        %dma_wait3A_58 = arith.constant 0 : i32
        %dma_wait3A_59 = arith.constant 0 : i32
        %dma_wait3A_60 = tpu.memref_slice %arg13[%dma_wait3A_58, %dma_wait3A_59] : memref<10240x64xf32, #tpu.memory_space<vmem_shared>> -> memref<10240x64xf32, #tpu.memory_space<vmem_shared>>
        tpu.wait_indirect_dma semaphore(%run_scoped3A : memref<!tpu.dma_semaphore, #tpu.memory_space<semaphore_mem>>) src(%arg9 : memref<128x64xf32, #tpu.memory_space<vmem>>) dst(%dma_wait3A_60 : memref<10240x64xf32, #tpu.memory_space<vmem_shared>>)
        tpu.yield
      }) : () -> ()
      %add3A_32 = arith.constant 1 : i32
      %add3A_33 = arith.addi %mul3A_19, %add3A_32 : i32
      %dma_wait3A_34 = arith.constant 0 : i32
      %dma_wait3A_35 = tpu.memref_slice %arg7[%add3A_33, %dma_wait3A_34] : memref<80x128xi32, #tpu.memory_space<vmem>> -> memref<1x128xi32, #tpu.memory_space<vmem>>
      %dma_wait3A_36 = tpu.memref_squeeze %dma_wait3A_35 : memref<1x128xi32, #tpu.memory_space<vmem>> -> memref<128xi32, #tpu.memory_space<vmem>>
      %dma_wait3A_37 = arith.constant 0 : i32
      %dma_wait3A_38 = arith.constant 0 : i32
      %dma_wait3A_39 = tpu.memref_slice %arg14[%dma_wait3A_37, %dma_wait3A_38] : memref<10240x64xf32, #tpu.memory_space<vmem_shared>> -> memref<10240x64xf32, #tpu.memory_space<vmem_shared>>
      tpu.wait_indirect_dma semaphore(%arg12 : memref<!tpu.dma_semaphore, #tpu.memory_space<semaphore_mem>>) src(%dma_wait3A_39 : memref<10240x64xf32, #tpu.memory_space<vmem_shared>>) dst(%arg10 : memref<128x64xf32, #tpu.memory_space<vmem>>)
      %add3A_40 = arith.constant 2 : i32
      %add3A_41 = arith.addi %add3A_33, %add3A_40 : i32
      %sub3A_42 = arith.constant 1 : i32
      %sub3A_43 = arith.subi %add3A_41, %sub3A_42 : i32
      %lt3A_44 = arith.constant 80 : i32
      %lt3A_45 = arith.cmpi slt, %sub3A_43, %lt3A_44 : i32
      %convert_element_type3A_46 = arith.extui %lt3A_45 : i1 to i32
      %cond3A_47 = arith.constant 0 : i32
      %cond3A_48 = arith.cmpi ne, %convert_element_type3A_46, %cond3A_47 : i32
      scf.if %cond3A_48 {
        %add3A_49 = arith.constant 2 : i32
        %add3A_50 = arith.addi %add3A_33, %add3A_49 : i32
        %sub3A_51 = arith.constant 1 : i32
        %sub3A_52 = arith.subi %add3A_50, %sub3A_51 : i32
        %dma_start3A_53 = arith.constant 0 : i32
        %dma_start3A_54 = tpu.memref_slice %arg7[%sub3A_52, %dma_start3A_53] : memref<80x128xi32, #tpu.memory_space<vmem>> -> memref<1x128xi32, #tpu.memory_space<vmem>>
        %dma_start3A_55 = tpu.memref_squeeze %dma_start3A_54 : memref<1x128xi32, #tpu.memory_space<vmem>> -> memref<128xi32, #tpu.memory_space<vmem>>
        %dma_start3A_56 = arith.constant 0 : i32
        %dma_start3A_57 = arith.constant 0 : i32
        %dma_start3A_58 = tpu.memref_slice %arg14[%dma_start3A_56, %dma_start3A_57] : memref<10240x64xf32, #tpu.memory_space<vmem_shared>> -> memref<10240x64xf32, #tpu.memory_space<vmem_shared>>
        tpu.enqueue_indirect_dma source(%dma_start3A_58 : memref<10240x64xf32, #tpu.memory_space<vmem_shared>>) target(%arg9 : memref<128x64xf32, #tpu.memory_space<vmem>>) offsets(%dma_start3A_55 : memref<128xi32, #tpu.memory_space<vmem>>) semaphore(%arg11 : memref<!tpu.dma_semaphore, #tpu.memory_space<semaphore_mem>>)
      } else {
      }
      "tpu.region"() ({
        %run_scoped3A = tpu.sem_alloc : memref<!tpu.dma_semaphore, #tpu.memory_space<semaphore_mem>>
        %dma_start3A_49 = arith.constant 0 : i32
        %dma_start3A_50 = tpu.memref_slice %arg8[%add3A_33, %dma_start3A_49] : memref<80x128xi32, #tpu.memory_space<vmem>> -> memref<1x128xi32, #tpu.memory_space<vmem>>
        %dma_start3A_51 = tpu.memref_squeeze %dma_start3A_50 : memref<1x128xi32, #tpu.memory_space<vmem>> -> memref<128xi32, #tpu.memory_space<vmem>>
        %dma_start3A_52 = arith.constant 0 : i32
        %dma_start3A_53 = arith.constant 0 : i32
        %dma_start3A_54 = tpu.memref_slice %arg13[%dma_start3A_52, %dma_start3A_53] : memref<10240x64xf32, #tpu.memory_space<vmem_shared>> -> memref<10240x64xf32, #tpu.memory_space<vmem_shared>>
        tpu.enqueue_indirect_dma source(%arg10 : memref<128x64xf32, #tpu.memory_space<vmem>>) target(%dma_start3A_54 : memref<10240x64xf32, #tpu.memory_space<vmem_shared>>) offsets(%dma_start3A_51 : memref<128xi32, #tpu.memory_space<vmem>>) semaphore(%run_scoped3A : memref<!tpu.dma_semaphore, #tpu.memory_space<semaphore_mem>>) {add = true}
        %dma_wait3A_55 = arith.constant 0 : i32
        %dma_wait3A_56 = tpu.memref_slice %arg8[%add3A_33, %dma_wait3A_55] : memref<80x128xi32, #tpu.memory_space<vmem>> -> memref<1x128xi32, #tpu.memory_space<vmem>>
        %dma_wait3A_57 = tpu.memref_squeeze %dma_wait3A_56 : memref<1x128xi32, #tpu.memory_space<vmem>> -> memref<128xi32, #tpu.memory_space<vmem>>
        %dma_wait3A_58 = arith.constant 0 : i32
        %dma_wait3A_59 = arith.constant 0 : i32
        %dma_wait3A_60 = tpu.memref_slice %arg13[%dma_wait3A_58, %dma_wait3A_59] : memref<10240x64xf32, #tpu.memory_space<vmem_shared>> -> memref<10240x64xf32, #tpu.memory_space<vmem_shared>>
        tpu.wait_indirect_dma semaphore(%run_scoped3A : memref<!tpu.dma_semaphore, #tpu.memory_space<semaphore_mem>>) src(%arg10 : memref<128x64xf32, #tpu.memory_space<vmem>>) dst(%dma_wait3A_60 : memref<10240x64xf32, #tpu.memory_space<vmem_shared>>)
        tpu.yield
      }) : () -> ()
    }
    %scan3A_13 = arith.constant 40 : i32
    %barrier3A_14 = arith.constant 0 : index
    tpu.barrier barrier_id(%barrier3A_14)
    %mul3A_15 = arith.constant 64 : i32
    %mul3A_16 = arith.muli %arg0, %mul3A_15 : i32
    "tpu.region"() ({
      %run_scoped3A = tpu.sem_alloc : memref<!tpu.dma_semaphore, #tpu.memory_space<semaphore_mem>>
      %dma_start3A_17 = tpu.memref_slice %arg6[%mul3A_2, %mul3A_16] : memref<10240x128xf32, #tpu.memory_space<hbm>> -> memref<640x64xf32, #tpu.memory_space<hbm>>
      %dma_start3A_18 = arith.constant 0 : i32
      %dma_start3A_19 = tpu.memref_slice %arg13[%mul3A_2, %dma_start3A_18] : memref<10240x64xf32, #tpu.memory_space<vmem_shared>> -> memref<640x64xf32, #tpu.memory_space<vmem_shared>>
      tpu.enqueue_dma source(%dma_start3A_19 : memref<640x64xf32, #tpu.memory_space<vmem_shared>>) target(%dma_start3A_17 : memref<640x64xf32, #tpu.memory_space<hbm>>) target_semaphore(%run_scoped3A : memref<!tpu.dma_semaphore, #tpu.memory_space<semaphore_mem>>)
      %dma_wait3A = tpu.memref_slice %arg6[%mul3A_2, %mul3A_16] : memref<10240x128xf32, #tpu.memory_space<hbm>> -> memref<640x64xf32, #tpu.memory_space<hbm>>
      %dma_wait3A_20 = arith.constant 0 : i32
      %dma_wait3A_21 = tpu.memref_slice %arg13[%mul3A_2, %dma_wait3A_20] : memref<10240x64xf32, #tpu.memory_space<vmem_shared>> -> memref<640x64xf32, #tpu.memory_space<vmem_shared>>
      tpu.wait_dma2 semaphore(%run_scoped3A : memref<!tpu.dma_semaphore, #tpu.memory_space<semaphore_mem>>) src(%dma_wait3A_21 : memref<640x64xf32, #tpu.memory_space<vmem_shared>>) dst(%dma_wait3A : memref<640x64xf32, #tpu.memory_space<hbm>>)
      tpu.yield
    }) : () -> ()
    return
  }
}

#map = affine_map<(d0, d1) -> (0, 0, 0)>
#map1 = affine_map<(d0, d1) -> (0)>
#map2 = affine_map<(d0, d1) -> (0, 0)>
module attributes {stable_mosaic.version = 14 : i64} {
  func.func @body(%arg0: i32, %arg1: i32, %arg2: memref<32x80x128xi32, #tpu.memory_space<hbm>>, %arg3: memref<10240xf32, #tpu.memory_space<hbm>>, %arg4: memref<2x10240xf32, #tpu.memory_space<hbm>>, %arg5: memref<80x128xi32, #tpu.memory_space<vmem>>, %arg6: memref<128xf32, #tpu.memory_space<vmem>>, %arg7: memref<10240xf32, #tpu.memory_space<vmem_shared>>) attributes {dimension_semantics = [#tpu.dimension_semantics<core_parallel>, #tpu.dimension_semantics<subcore_parallel>], iteration_bounds = array<i64: 2, 16>, scalar_prefetch = 0 : i64, scratch_operands = 3 : i64, tpu.core_type = #tpu.core_type<sc_vector_subcore>, window_params = [{transform_indices = #map}, {transform_indices = #map1}, {transform_indices = #map2}]} {
    %mul3A = arith.constant 2 : i32
    %mul3A_0 = arith.muli %arg1, %mul3A : i32
    %add3A = arith.addi %mul3A_0, %arg0 : i32
    "tpu.region"() ({
      %run_scoped3A = tpu.sem_alloc : memref<!tpu.dma_semaphore, #tpu.memory_space<semaphore_mem>>
      %dma_start3A = arith.constant 0 : i32
      %dma_start3A_57 = arith.constant 0 : i32
      %dma_start3A_58 = tpu.memref_slice %arg2[%add3A, %dma_start3A, %dma_start3A_57] : memref<32x80x128xi32, #tpu.memory_space<hbm>> -> memref<1x80x128xi32, #tpu.memory_space<hbm>>
      %dma_start3A_59 = tpu.memref_squeeze %dma_start3A_58 : memref<1x80x128xi32, #tpu.memory_space<hbm>> -> memref<80x128xi32, #tpu.memory_space<hbm>>
      %dma_start3A_60 = arith.constant 0 : i32
      %dma_start3A_61 = arith.constant 0 : i32
      %dma_start3A_62 = tpu.memref_slice %arg2[%add3A, %dma_start3A_60, %dma_start3A_61] : memref<32x80x128xi32, #tpu.memory_space<hbm>> -> memref<1x80x128xi32, #tpu.memory_space<hbm>>
      %dma_start3A_63 = tpu.memref_squeeze %dma_start3A_62 : memref<1x80x128xi32, #tpu.memory_space<hbm>> -> memref<80x128xi32, #tpu.memory_space<hbm>>
      tpu.enqueue_dma source(%dma_start3A_63 : memref<80x128xi32, #tpu.memory_space<hbm>>) target(%arg5 : memref<80x128xi32, #tpu.memory_space<vmem>>) target_semaphore(%run_scoped3A : memref<!tpu.dma_semaphore, #tpu.memory_space<semaphore_mem>>)
      %dma_wait3A = arith.constant 0 : i32
      %dma_wait3A_64 = arith.constant 0 : i32
      %dma_wait3A_65 = tpu.memref_slice %arg2[%add3A, %dma_wait3A, %dma_wait3A_64] : memref<32x80x128xi32, #tpu.memory_space<hbm>> -> memref<1x80x128xi32, #tpu.memory_space<hbm>>
      %dma_wait3A_66 = tpu.memref_squeeze %dma_wait3A_65 : memref<1x80x128xi32, #tpu.memory_space<hbm>> -> memref<80x128xi32, #tpu.memory_space<hbm>>
      %dma_wait3A_67 = arith.constant 0 : i32
      %dma_wait3A_68 = arith.constant 0 : i32
      %dma_wait3A_69 = tpu.memref_slice %arg2[%add3A, %dma_wait3A_67, %dma_wait3A_68] : memref<32x80x128xi32, #tpu.memory_space<hbm>> -> memref<1x80x128xi32, #tpu.memory_space<hbm>>
      %dma_wait3A_70 = tpu.memref_squeeze %dma_wait3A_69 : memref<1x80x128xi32, #tpu.memory_space<hbm>> -> memref<80x128xi32, #tpu.memory_space<hbm>>
      tpu.wait_dma2 semaphore(%run_scoped3A : memref<!tpu.dma_semaphore, #tpu.memory_space<semaphore_mem>>) src(%dma_wait3A_70 : memref<80x128xi32, #tpu.memory_space<hbm>>) dst(%arg5 : memref<80x128xi32, #tpu.memory_space<vmem>>)
      tpu.yield
    }) : () -> ()
    %broadcast_in_dim3A = arith.constant 1.000000e+00 : f32
    %broadcast_in_dim3A_1 = vector.broadcast %broadcast_in_dim3A : f32 to vector<16xf32>
    %swap3A = arith.constant 0 : index
    %swap3A_2 = tpu.vector_load %arg6[%swap3A] {strides = array<i32>} : memref<128xf32, #tpu.memory_space<vmem>>, vector<16xf32>,
    %swap3A_3 = vector.shape_cast %swap3A_2 : vector<16xf32> to vector<16xf32>
    %swap3A_4 = vector.shape_cast %broadcast_in_dim3A_1 : vector<16xf32> to vector<16xf32>
    tpu.vector_store %arg6[%swap3A], %swap3A_4 {strides = array<i32>} : memref<128xf32, #tpu.memory_space<vmem>>, vector<16xf32>,
    %broadcast_in_dim3A_5 = arith.constant 1.000000e+00 : f32
    %broadcast_in_dim3A_6 = vector.broadcast %broadcast_in_dim3A_5 : f32 to vector<16xf32>
    %swap3A_7 = arith.constant 16 : index
    %swap3A_8 = tpu.vector_load %arg6[%swap3A_7] {strides = array<i32>} : memref<128xf32, #tpu.memory_space<vmem>>, vector<16xf32>,
    %swap3A_9 = vector.shape_cast %swap3A_8 : vector<16xf32> to vector<16xf32>
    %swap3A_10 = vector.shape_cast %broadcast_in_dim3A_6 : vector<16xf32> to vector<16xf32>
    tpu.vector_store %arg6[%swap3A_7], %swap3A_10 {strides = array<i32>} : memref<128xf32, #tpu.memory_space<vmem>>, vector<16xf32>,
    %broadcast_in_dim3A_11 = arith.constant 1.000000e+00 : f32
    %broadcast_in_dim3A_12 = vector.broadcast %broadcast_in_dim3A_11 : f32 to vector<16xf32>
    %swap3A_13 = arith.constant 32 : index
    %swap3A_14 = tpu.vector_load %arg6[%swap3A_13] {strides = array<i32>} : memref<128xf32, #tpu.memory_space<vmem>>, vector<16xf32>,
    %swap3A_15 = vector.shape_cast %swap3A_14 : vector<16xf32> to vector<16xf32>
    %swap3A_16 = vector.shape_cast %broadcast_in_dim3A_12 : vector<16xf32> to vector<16xf32>
    tpu.vector_store %arg6[%swap3A_13], %swap3A_16 {strides = array<i32>} : memref<128xf32, #tpu.memory_space<vmem>>, vector<16xf32>,
    %broadcast_in_dim3A_17 = arith.constant 1.000000e+00 : f32
    %broadcast_in_dim3A_18 = vector.broadcast %broadcast_in_dim3A_17 : f32 to vector<16xf32>
    %swap3A_19 = arith.constant 48 : index
    %swap3A_20 = tpu.vector_load %arg6[%swap3A_19] {strides = array<i32>} : memref<128xf32, #tpu.memory_space<vmem>>, vector<16xf32>,
    %swap3A_21 = vector.shape_cast %swap3A_20 : vector<16xf32> to vector<16xf32>
    %swap3A_22 = vector.shape_cast %broadcast_in_dim3A_18 : vector<16xf32> to vector<16xf32>
    tpu.vector_store %arg6[%swap3A_19], %swap3A_22 {strides = array<i32>} : memref<128xf32, #tpu.memory_space<vmem>>, vector<16xf32>,
    %broadcast_in_dim3A_23 = arith.constant 1.000000e+00 : f32
    %broadcast_in_dim3A_24 = vector.broadcast %broadcast_in_dim3A_23 : f32 to vector<16xf32>
    %swap3A_25 = arith.constant 64 : index
    %swap3A_26 = tpu.vector_load %arg6[%swap3A_25] {strides = array<i32>} : memref<128xf32, #tpu.memory_space<vmem>>, vector<16xf32>,
    %swap3A_27 = vector.shape_cast %swap3A_26 : vector<16xf32> to vector<16xf32>
    %swap3A_28 = vector.shape_cast %broadcast_in_dim3A_24 : vector<16xf32> to vector<16xf32>
    tpu.vector_store %arg6[%swap3A_25], %swap3A_28 {strides = array<i32>} : memref<128xf32, #tpu.memory_space<vmem>>, vector<16xf32>,
    %broadcast_in_dim3A_29 = arith.constant 1.000000e+00 : f32
    %broadcast_in_dim3A_30 = vector.broadcast %broadcast_in_dim3A_29 : f32 to vector<16xf32>
    %swap3A_31 = arith.constant 80 : index
    %swap3A_32 = tpu.vector_load %arg6[%swap3A_31] {strides = array<i32>} : memref<128xf32, #tpu.memory_space<vmem>>, vector<16xf32>,
    %swap3A_33 = vector.shape_cast %swap3A_32 : vector<16xf32> to vector<16xf32>
    %swap3A_34 = vector.shape_cast %broadcast_in_dim3A_30 : vector<16xf32> to vector<16xf32>
    tpu.vector_store %arg6[%swap3A_31], %swap3A_34 {strides = array<i32>} : memref<128xf32, #tpu.memory_space<vmem>>, vector<16xf32>,
    %broadcast_in_dim3A_35 = arith.constant 1.000000e+00 : f32
    %broadcast_in_dim3A_36 = vector.broadcast %broadcast_in_dim3A_35 : f32 to vector<16xf32>
    %swap3A_37 = arith.constant 96 : index
    %swap3A_38 = tpu.vector_load %arg6[%swap3A_37] {strides = array<i32>} : memref<128xf32, #tpu.memory_space<vmem>>, vector<16xf32>,
    %swap3A_39 = vector.shape_cast %swap3A_38 : vector<16xf32> to vector<16xf32>
    %swap3A_40 = vector.shape_cast %broadcast_in_dim3A_36 : vector<16xf32> to vector<16xf32>
    tpu.vector_store %arg6[%swap3A_37], %swap3A_40 {strides = array<i32>} : memref<128xf32, #tpu.memory_space<vmem>>, vector<16xf32>,
    %broadcast_in_dim3A_41 = arith.constant 1.000000e+00 : f32
    %broadcast_in_dim3A_42 = vector.broadcast %broadcast_in_dim3A_41 : f32 to vector<16xf32>
    %swap3A_43 = arith.constant 112 : index
    %swap3A_44 = tpu.vector_load %arg6[%swap3A_43] {strides = array<i32>} : memref<128xf32, #tpu.memory_space<vmem>>, vector<16xf32>,
    %swap3A_45 = vector.shape_cast %swap3A_44 : vector<16xf32> to vector<16xf32>
    %swap3A_46 = vector.shape_cast %broadcast_in_dim3A_42 : vector<16xf32> to vector<16xf32>
    tpu.vector_store %arg6[%swap3A_43], %swap3A_46 {strides = array<i32>} : memref<128xf32, #tpu.memory_space<vmem>>, vector<16xf32>,
    %eq3A = arith.constant 0 : i32
    %eq3A_47 = arith.cmpi eq, %arg1, %eq3A : i32
    %convert_element_type3A = arith.extui %eq3A_47 : i1 to i32
    %cond3A = arith.constant 0 : i32
    %cond3A_48 = arith.cmpi ne, %convert_element_type3A, %cond3A : i32
    scf.if %cond3A_48 {
      "tpu.region"() ({
        %run_scoped3A = tpu.sem_alloc : memref<!tpu.dma_semaphore, #tpu.memory_space<semaphore_mem>>
        tpu.enqueue_dma source(%arg3 : memref<10240xf32, #tpu.memory_space<hbm>>) target(%arg7 : memref<10240xf32, #tpu.memory_space<vmem_shared>>) target_semaphore(%run_scoped3A : memref<!tpu.dma_semaphore, #tpu.memory_space<semaphore_mem>>)
        tpu.wait_dma2 semaphore(%run_scoped3A : memref<!tpu.dma_semaphore, #tpu.memory_space<semaphore_mem>>) src(%arg3 : memref<10240xf32, #tpu.memory_space<hbm>>) dst(%arg7 : memref<10240xf32, #tpu.memory_space<vmem_shared>>)
        tpu.yield
      }) : () -> ()
    } else {
    }
    %barrier3A = arith.constant 0 : index
    tpu.barrier barrier_id(%barrier3A)
    %scan3A = arith.constant 0 : i32
    %scan3A_49 = arith.constant 0 : i32
    %scan3A_50 = arith.constant 80 : i32
    %scan3A_51 = arith.addi %scan3A_49, %scan3A_50 : i32
    %scan3A_52 = arith.constant 1 : i32
    scf.for %scan3A_57 = %scan3A_49 to %scan3A_51 step %scan3A_52  : i32 {
      "tpu.region"() ({
        %run_scoped3A = tpu.sem_alloc : memref<!tpu.dma_semaphore, #tpu.memory_space<semaphore_mem>>
        %dma_start3A = arith.constant 0 : i32
        %dma_start3A_58 = tpu.memref_slice %arg5[%scan3A_57, %dma_start3A] : memref<80x128xi32, #tpu.memory_space<vmem>> -> memref<1x128xi32, #tpu.memory_space<vmem>>
        %dma_start3A_59 = tpu.memref_squeeze %dma_start3A_58 : memref<1x128xi32, #tpu.memory_space<vmem>> -> memref<128xi32, #tpu.memory_space<vmem>>
        %dma_start3A_60 = arith.constant 0 : i32
        %dma_start3A_61 = tpu.memref_slice %arg7[%dma_start3A_60] : memref<10240xf32, #tpu.memory_space<vmem_shared>> -> memref<10240xf32, #tpu.memory_space<vmem_shared>>
        tpu.enqueue_indirect_dma source(%arg6 : memref<128xf32, #tpu.memory_space<vmem>>) target(%dma_start3A_61 : memref<10240xf32, #tpu.memory_space<vmem_shared>>) offsets(%dma_start3A_59 : memref<128xi32, #tpu.memory_space<vmem>>) semaphore(%run_scoped3A : memref<!tpu.dma_semaphore, #tpu.memory_space<semaphore_mem>>) {add = true}
        %dma_wait3A = arith.constant 0 : i32
        %dma_wait3A_62 = tpu.memref_slice %arg5[%scan3A_57, %dma_wait3A] : memref<80x128xi32, #tpu.memory_space<vmem>> -> memref<1x128xi32, #tpu.memory_space<vmem>>
        %dma_wait3A_63 = tpu.memref_squeeze %dma_wait3A_62 : memref<1x128xi32, #tpu.memory_space<vmem>> -> memref<128xi32, #tpu.memory_space<vmem>>
        %dma_wait3A_64 = arith.constant 0 : i32
        %dma_wait3A_65 = tpu.memref_slice %arg7[%dma_wait3A_64] : memref<10240xf32, #tpu.memory_space<vmem_shared>> -> memref<10240xf32, #tpu.memory_space<vmem_shared>>
        tpu.wait_indirect_dma semaphore(%run_scoped3A : memref<!tpu.dma_semaphore, #tpu.memory_space<semaphore_mem>>) src(%arg6 : memref<128xf32, #tpu.memory_space<vmem>>) dst(%dma_wait3A_65 : memref<10240xf32, #tpu.memory_space<vmem_shared>>)
        tpu.yield
      }) : () -> ()
    }
    %scan3A_53 = arith.constant 80 : i32
    %barrier3A_54 = arith.constant 0 : index
    tpu.barrier barrier_id(%barrier3A_54)
    %mul3A_55 = arith.constant 640 : i32
    %mul3A_56 = arith.muli %arg1, %mul3A_55 : i32
    "tpu.region"() ({
      %run_scoped3A = tpu.sem_alloc : memref<!tpu.dma_semaphore, #tpu.memory_space<semaphore_mem>>
      %dma_start3A = arith.constant 0 : i32
      %dma_start3A_57 = tpu.memref_slice %arg4[%arg0, %dma_start3A] : memref<2x10240xf32, #tpu.memory_space<hbm>> -> memref<1x10240xf32, #tpu.memory_space<hbm>>
      %dma_start3A_58 = tpu.memref_squeeze %dma_start3A_57 : memref<1x10240xf32, #tpu.memory_space<hbm>> -> memref<10240xf32, #tpu.memory_space<hbm>>
      %dma_start3A_59 = tpu.memref_slice %dma_start3A_58[%mul3A_56] : memref<10240xf32, #tpu.memory_space<hbm>> -> memref<640xf32, #tpu.memory_space<hbm>>
      %dma_start3A_60 = tpu.memref_slice %arg7[%mul3A_56] : memref<10240xf32, #tpu.memory_space<vmem_shared>> -> memref<640xf32, #tpu.memory_space<vmem_shared>>
      tpu.enqueue_dma source(%dma_start3A_60 : memref<640xf32, #tpu.memory_space<vmem_shared>>) target(%dma_start3A_59 : memref<640xf32, #tpu.memory_space<hbm>>) target_semaphore(%run_scoped3A : memref<!tpu.dma_semaphore, #tpu.memory_space<semaphore_mem>>)
      %dma_wait3A = arith.constant 0 : i32
      %dma_wait3A_61 = tpu.memref_slice %arg4[%arg0, %dma_wait3A] : memref<2x10240xf32, #tpu.memory_space<hbm>> -> memref<1x10240xf32, #tpu.memory_space<hbm>>
      %dma_wait3A_62 = tpu.memref_squeeze %dma_wait3A_61 : memref<1x10240xf32, #tpu.memory_space<hbm>> -> memref<10240xf32, #tpu.memory_space<hbm>>
      %dma_wait3A_63 = tpu.memref_slice %dma_wait3A_62[%mul3A_56] : memref<10240xf32, #tpu.memory_space<hbm>> -> memref<640xf32, #tpu.memory_space<hbm>>
      %dma_wait3A_64 = tpu.memref_slice %arg7[%mul3A_56] : memref<10240xf32, #tpu.memory_space<vmem_shared>> -> memref<640xf32, #tpu.memory_space<vmem_shared>>
      tpu.wait_dma2 semaphore(%run_scoped3A : memref<!tpu.dma_semaphore, #tpu.memory_space<semaphore_mem>>) src(%dma_wait3A_64 : memref<640xf32, #tpu.memory_space<vmem_shared>>) dst(%dma_wait3A_63 : memref<640xf32, #tpu.memory_space<hbm>>)
      tpu.yield
    }) : () -> ()
    return
  }
}

#map = affine_map<(d0, d1) -> (0, 0)>
#map1 = affine_map<(d0, d1) -> (0, 0, 0)>
module attributes {stable_mosaic.version = 14 : i64} {
  func.func @body(%arg0: i32, %arg1: i32, %arg2: memref<10240x128xf32, #tpu.memory_space<hbm>>, %arg3: memref<32x80x128xi32, #tpu.memory_space<hbm>>, %arg4: memref<32x80x128xi32, #tpu.memory_space<hbm>>, %arg5: memref<10240x128xf32, #tpu.memory_space<hbm>>, %arg6: memref<10240x128xf32, #tpu.memory_space<hbm>>, %arg7: memref<80x128xi32, #tpu.memory_space<vmem>>, %arg8: memref<80x128xi32, #tpu.memory_space<vmem>>, %arg9: memref<128x40xf32, #tpu.memory_space<vmem>>, %arg10: memref<128x40xf32, #tpu.memory_space<vmem>>, %arg11: memref<!tpu.dma_semaphore, #tpu.memory_space<semaphore_mem>>, %arg12: memref<!tpu.dma_semaphore, #tpu.memory_space<semaphore_mem>>, %arg13: memref<10240x40xf32, #tpu.memory_space<vmem_shared>>, %arg14: memref<10240x40xf32, #tpu.memory_space<vmem_shared>>) attributes {dimension_semantics = [#tpu.dimension_semantics<core_parallel>, #tpu.dimension_semantics<subcore_parallel>], iteration_bounds = array<i64: 2, 16>, scalar_prefetch = 0 : i64, scratch_operands = 8 : i64, tpu.core_type = #tpu.core_type<sc_vector_subcore>, window_params = [{transform_indices = #map}, {transform_indices = #map1}, {transform_indices = #map1}, {transform_indices = #map}, {transform_indices = #map}]} {
    %mul3A = arith.constant 2 : i32
    %mul3A_0 = arith.muli %arg1, %mul3A : i32
    %add3A = arith.addi %mul3A_0, %arg0 : i32
    %mul3A_1 = arith.constant 640 : i32
    %mul3A_2 = arith.muli %arg1, %mul3A_1 : i32
    "tpu.region"() ({
      %run_scoped3A = tpu.sem_alloc : memref<!tpu.dma_semaphore, #tpu.memory_space<semaphore_mem>>
      %dma_start3A_17 = arith.constant 0 : i32
      %dma_start3A_18 = arith.constant 0 : i32
      %dma_start3A_19 = tpu.memref_slice %arg3[%add3A, %dma_start3A_17, %dma_start3A_18] : memref<32x80x128xi32, #tpu.memory_space<hbm>> -> memref<1x80x128xi32, #tpu.memory_space<hbm>>
      %dma_start3A_20 = tpu.memref_squeeze %dma_start3A_19 : memref<1x80x128xi32, #tpu.memory_space<hbm>> -> memref<80x128xi32, #tpu.memory_space<hbm>>
      %dma_start3A_21 = arith.constant 0 : i32
      %dma_start3A_22 = arith.constant 0 : i32
      %dma_start3A_23 = tpu.memref_slice %arg3[%add3A, %dma_start3A_21, %dma_start3A_22] : memref<32x80x128xi32, #tpu.memory_space<hbm>> -> memref<1x80x128xi32, #tpu.memory_space<hbm>>
      %dma_start3A_24 = tpu.memref_squeeze %dma_start3A_23 : memref<1x80x128xi32, #tpu.memory_space<hbm>> -> memref<80x128xi32, #tpu.memory_space<hbm>>
      tpu.enqueue_dma source(%dma_start3A_24 : memref<80x128xi32, #tpu.memory_space<hbm>>) target(%arg7 : memref<80x128xi32, #tpu.memory_space<vmem>>) target_semaphore(%run_scoped3A : memref<!tpu.dma_semaphore, #tpu.memory_space<semaphore_mem>>)
      %dma_wait3A = arith.constant 0 : i32
      %dma_wait3A_25 = arith.constant 0 : i32
      %dma_wait3A_26 = tpu.memref_slice %arg3[%add3A, %dma_wait3A, %dma_wait3A_25] : memref<32x80x128xi32, #tpu.memory_space<hbm>> -> memref<1x80x128xi32, #tpu.memory_space<hbm>>
      %dma_wait3A_27 = tpu.memref_squeeze %dma_wait3A_26 : memref<1x80x128xi32, #tpu.memory_space<hbm>> -> memref<80x128xi32, #tpu.memory_space<hbm>>
      %dma_wait3A_28 = arith.constant 0 : i32
      %dma_wait3A_29 = arith.constant 0 : i32
      %dma_wait3A_30 = tpu.memref_slice %arg3[%add3A, %dma_wait3A_28, %dma_wait3A_29] : memref<32x80x128xi32, #tpu.memory_space<hbm>> -> memref<1x80x128xi32, #tpu.memory_space<hbm>>
      %dma_wait3A_31 = tpu.memref_squeeze %dma_wait3A_30 : memref<1x80x128xi32, #tpu.memory_space<hbm>> -> memref<80x128xi32, #tpu.memory_space<hbm>>
      tpu.wait_dma2 semaphore(%run_scoped3A : memref<!tpu.dma_semaphore, #tpu.memory_space<semaphore_mem>>) src(%dma_wait3A_31 : memref<80x128xi32, #tpu.memory_space<hbm>>) dst(%arg7 : memref<80x128xi32, #tpu.memory_space<vmem>>)
      tpu.yield
    }) : () -> ()
    "tpu.region"() ({
      %run_scoped3A = tpu.sem_alloc : memref<!tpu.dma_semaphore, #tpu.memory_space<semaphore_mem>>
      %dma_start3A_17 = arith.constant 0 : i32
      %dma_start3A_18 = arith.constant 0 : i32
      %dma_start3A_19 = tpu.memref_slice %arg4[%add3A, %dma_start3A_17, %dma_start3A_18] : memref<32x80x128xi32, #tpu.memory_space<hbm>> -> memref<1x80x128xi32, #tpu.memory_space<hbm>>
      %dma_start3A_20 = tpu.memref_squeeze %dma_start3A_19 : memref<1x80x128xi32, #tpu.memory_space<hbm>> -> memref<80x128xi32, #tpu.memory_space<hbm>>
      %dma_start3A_21 = arith.constant 0 : i32
      %dma_start3A_22 = arith.constant 0 : i32
      %dma_start3A_23 = tpu.memref_slice %arg4[%add3A, %dma_start3A_21, %dma_start3A_22] : memref<32x80x128xi32, #tpu.memory_space<hbm>> -> memref<1x80x128xi32, #tpu.memory_space<hbm>>
      %dma_start3A_24 = tpu.memref_squeeze %dma_start3A_23 : memref<1x80x128xi32, #tpu.memory_space<hbm>> -> memref<80x128xi32, #tpu.memory_space<hbm>>
      tpu.enqueue_dma source(%dma_start3A_24 : memref<80x128xi32, #tpu.memory_space<hbm>>) target(%arg8 : memref<80x128xi32, #tpu.memory_space<vmem>>) target_semaphore(%run_scoped3A : memref<!tpu.dma_semaphore, #tpu.memory_space<semaphore_mem>>)
      %dma_wait3A = arith.constant 0 : i32
      %dma_wait3A_25 = arith.constant 0 : i32
      %dma_wait3A_26 = tpu.memref_slice %arg4[%add3A, %dma_wait3A, %dma_wait3A_25] : memref<32x80x128xi32, #tpu.memory_space<hbm>> -> memref<1x80x128xi32, #tpu.memory_space<hbm>>
      %dma_wait3A_27 = tpu.memref_squeeze %dma_wait3A_26 : memref<1x80x128xi32, #tpu.memory_space<hbm>> -> memref<80x128xi32, #tpu.memory_space<hbm>>
      %dma_wait3A_28 = arith.constant 0 : i32
      %dma_wait3A_29 = arith.constant 0 : i32
      %dma_wait3A_30 = tpu.memref_slice %arg4[%add3A, %dma_wait3A_28, %dma_wait3A_29] : memref<32x80x128xi32, #tpu.memory_space<hbm>> -> memref<1x80x128xi32, #tpu.memory_space<hbm>>
      %dma_wait3A_31 = tpu.memref_squeeze %dma_wait3A_30 : memref<1x80x128xi32, #tpu.memory_space<hbm>> -> memref<80x128xi32, #tpu.memory_space<hbm>>
      tpu.wait_dma2 semaphore(%run_scoped3A : memref<!tpu.dma_semaphore, #tpu.memory_space<semaphore_mem>>) src(%dma_wait3A_31 : memref<80x128xi32, #tpu.memory_space<hbm>>) dst(%arg8 : memref<80x128xi32, #tpu.memory_space<vmem>>)
      tpu.yield
    }) : () -> ()
    "tpu.region"() ({
      %run_scoped3A = tpu.sem_alloc : memref<!tpu.dma_semaphore, #tpu.memory_space<semaphore_mem>>
      %dma_start3A_17 = arith.constant 0 : i32
      %dma_start3A_18 = tpu.memref_slice %arg13[%mul3A_2, %dma_start3A_17] : memref<10240x40xf32, #tpu.memory_space<vmem_shared>> -> memref<640x40xf32, #tpu.memory_space<vmem_shared>>
      %dma_start3A_19 = arith.constant 0 : i32
      %dma_start3A_20 = tpu.memref_slice %arg5[%mul3A_2, %dma_start3A_19] : memref<10240x128xf32, #tpu.memory_space<hbm>> -> memref<640x40xf32, #tpu.memory_space<hbm>>
      tpu.enqueue_dma source(%dma_start3A_20 : memref<640x40xf32, #tpu.memory_space<hbm>>) target(%dma_start3A_18 : memref<640x40xf32, #tpu.memory_space<vmem_shared>>) target_semaphore(%run_scoped3A : memref<!tpu.dma_semaphore, #tpu.memory_space<semaphore_mem>>)
      %dma_wait3A = arith.constant 0 : i32
      %dma_wait3A_21 = tpu.memref_slice %arg13[%mul3A_2, %dma_wait3A] : memref<10240x40xf32, #tpu.memory_space<vmem_shared>> -> memref<640x40xf32, #tpu.memory_space<vmem_shared>>
      %dma_wait3A_22 = arith.constant 0 : i32
      %dma_wait3A_23 = tpu.memref_slice %arg5[%mul3A_2, %dma_wait3A_22] : memref<10240x128xf32, #tpu.memory_space<hbm>> -> memref<640x40xf32, #tpu.memory_space<hbm>>
      tpu.wait_dma2 semaphore(%run_scoped3A : memref<!tpu.dma_semaphore, #tpu.memory_space<semaphore_mem>>) src(%dma_wait3A_23 : memref<640x40xf32, #tpu.memory_space<hbm>>) dst(%dma_wait3A_21 : memref<640x40xf32, #tpu.memory_space<vmem_shared>>)
      tpu.yield
    }) : () -> ()
    "tpu.region"() ({
      %run_scoped3A = tpu.sem_alloc : memref<!tpu.dma_semaphore, #tpu.memory_space<semaphore_mem>>
      %dma_start3A_17 = arith.constant 0 : i32
      %dma_start3A_18 = tpu.memref_slice %arg14[%mul3A_2, %dma_start3A_17] : memref<10240x40xf32, #tpu.memory_space<vmem_shared>> -> memref<640x40xf32, #tpu.memory_space<vmem_shared>>
      %dma_start3A_19 = arith.constant 0 : i32
      %dma_start3A_20 = tpu.memref_slice %arg2[%mul3A_2, %dma_start3A_19] : memref<10240x128xf32, #tpu.memory_space<hbm>> -> memref<640x40xf32, #tpu.memory_space<hbm>>
      tpu.enqueue_dma source(%dma_start3A_20 : memref<640x40xf32, #tpu.memory_space<hbm>>) target(%dma_start3A_18 : memref<640x40xf32, #tpu.memory_space<vmem_shared>>) target_semaphore(%run_scoped3A : memref<!tpu.dma_semaphore, #tpu.memory_space<semaphore_mem>>)
      %dma_wait3A = arith.constant 0 : i32
      %dma_wait3A_21 = tpu.memref_slice %arg14[%mul3A_2, %dma_wait3A] : memref<10240x40xf32, #tpu.memory_space<vmem_shared>> -> memref<640x40xf32, #tpu.memory_space<vmem_shared>>
      %dma_wait3A_22 = arith.constant 0 : i32
      %dma_wait3A_23 = tpu.memref_slice %arg2[%mul3A_2, %dma_wait3A_22] : memref<10240x128xf32, #tpu.memory_space<hbm>> -> memref<640x40xf32, #tpu.memory_space<hbm>>
      tpu.wait_dma2 semaphore(%run_scoped3A : memref<!tpu.dma_semaphore, #tpu.memory_space<semaphore_mem>>) src(%dma_wait3A_23 : memref<640x40xf32, #tpu.memory_space<hbm>>) dst(%dma_wait3A_21 : memref<640x40xf32, #tpu.memory_space<vmem_shared>>)
      tpu.yield
    }) : () -> ()
    %barrier3A = arith.constant 0 : index
    tpu.barrier barrier_id(%barrier3A)
    %dma_start3A = arith.constant 0 : i32
    %dma_start3A_3 = arith.constant 0 : i32
    %dma_start3A_4 = tpu.memref_slice %arg7[%dma_start3A, %dma_start3A_3] : memref<80x128xi32, #tpu.memory_space<vmem>> -> memref<1x128xi32, #tpu.memory_space<vmem>>
    %dma_start3A_5 = tpu.memref_squeeze %dma_start3A_4 : memref<1x128xi32, #tpu.memory_space<vmem>> -> memref<128xi32, #tpu.memory_space<vmem>>
    %dma_start3A_6 = arith.constant 0 : i32
    %dma_start3A_7 = arith.constant 0 : i32
    %dma_start3A_8 = tpu.memref_slice %arg14[%dma_start3A_6, %dma_start3A_7] : memref<10240x40xf32, #tpu.memory_space<vmem_shared>> -> memref<10240x40xf32, #tpu.memory_space<vmem_shared>>
    tpu.enqueue_indirect_dma source(%dma_start3A_8 : memref<10240x40xf32, #tpu.memory_space<vmem_shared>>) target(%arg9 : memref<128x40xf32, #tpu.memory_space<vmem>>) offsets(%dma_start3A_5 : memref<128xi32, #tpu.memory_space<vmem>>) semaphore(%arg11 : memref<!tpu.dma_semaphore, #tpu.memory_space<semaphore_mem>>)
    %scan3A = arith.constant 0 : i32
    %scan3A_9 = arith.constant 0 : i32
    %scan3A_10 = arith.constant 40 : i32
    %scan3A_11 = arith.addi %scan3A_9, %scan3A_10 : i32
    %scan3A_12 = arith.constant 1 : i32
    scf.for %scan3A_17 = %scan3A_9 to %scan3A_11 step %scan3A_12  : i32 {
      %mul3A_18 = arith.constant 2 : i32
      %mul3A_19 = arith.muli %scan3A_17, %mul3A_18 : i32
      %add3A_20 = arith.constant 0 : i32
      %add3A_21 = arith.addi %mul3A_19, %add3A_20 : i32
      %dma_wait3A = arith.constant 0 : i32
      %dma_wait3A_22 = tpu.memref_slice %arg7[%add3A_21, %dma_wait3A] : memref<80x128xi32, #tpu.memory_space<vmem>> -> memref<1x128xi32, #tpu.memory_space<vmem>>
      %dma_wait3A_23 = tpu.memref_squeeze %dma_wait3A_22 : memref<1x128xi32, #tpu.memory_space<vmem>> -> memref<128xi32, #tpu.memory_space<vmem>>
      %dma_wait3A_24 = arith.constant 0 : i32
      %dma_wait3A_25 = arith.constant 0 : i32
      %dma_wait3A_26 = tpu.memref_slice %arg14[%dma_wait3A_24, %dma_wait3A_25] : memref<10240x40xf32, #tpu.memory_space<vmem_shared>> -> memref<10240x40xf32, #tpu.memory_space<vmem_shared>>
      tpu.wait_indirect_dma semaphore(%arg11 : memref<!tpu.dma_semaphore, #tpu.memory_space<semaphore_mem>>) src(%dma_wait3A_26 : memref<10240x40xf32, #tpu.memory_space<vmem_shared>>) dst(%arg9 : memref<128x40xf32, #tpu.memory_space<vmem>>)
      %add3A_27 = arith.constant 2 : i32
      %add3A_28 = arith.addi %add3A_21, %add3A_27 : i32
      %sub3A = arith.constant 1 : i32
      %sub3A_29 = arith.subi %add3A_28, %sub3A : i32
      %lt3A = arith.constant 80 : i32
      %lt3A_30 = arith.cmpi slt, %sub3A_29, %lt3A : i32
      %convert_element_type3A = arith.extui %lt3A_30 : i1 to i32
      %cond3A = arith.constant 0 : i32
      %cond3A_31 = arith.cmpi ne, %convert_element_type3A, %cond3A : i32
      scf.if %cond3A_31 {
        %add3A_49 = arith.constant 2 : i32
        %add3A_50 = arith.addi %add3A_21, %add3A_49 : i32
        %sub3A_51 = arith.constant 1 : i32
        %sub3A_52 = arith.subi %add3A_50, %sub3A_51 : i32
        %dma_start3A_53 = arith.constant 0 : i32
        %dma_start3A_54 = tpu.memref_slice %arg7[%sub3A_52, %dma_start3A_53] : memref<80x128xi32, #tpu.memory_space<vmem>> -> memref<1x128xi32, #tpu.memory_space<vmem>>
        %dma_start3A_55 = tpu.memref_squeeze %dma_start3A_54 : memref<1x128xi32, #tpu.memory_space<vmem>> -> memref<128xi32, #tpu.memory_space<vmem>>
        %dma_start3A_56 = arith.constant 0 : i32
        %dma_start3A_57 = arith.constant 0 : i32
        %dma_start3A_58 = tpu.memref_slice %arg14[%dma_start3A_56, %dma_start3A_57] : memref<10240x40xf32, #tpu.memory_space<vmem_shared>> -> memref<10240x40xf32, #tpu.memory_space<vmem_shared>>
        tpu.enqueue_indirect_dma source(%dma_start3A_58 : memref<10240x40xf32, #tpu.memory_space<vmem_shared>>) target(%arg10 : memref<128x40xf32, #tpu.memory_space<vmem>>) offsets(%dma_start3A_55 : memref<128xi32, #tpu.memory_space<vmem>>) semaphore(%arg12 : memref<!tpu.dma_semaphore, #tpu.memory_space<semaphore_mem>>)
      } else {
      }
      "tpu.region"() ({
        %run_scoped3A = tpu.sem_alloc : memref<!tpu.dma_semaphore, #tpu.memory_space<semaphore_mem>>
        %dma_start3A_49 = arith.constant 0 : i32
        %dma_start3A_50 = tpu.memref_slice %arg8[%add3A_21, %dma_start3A_49] : memref<80x128xi32, #tpu.memory_space<vmem>> -> memref<1x128xi32, #tpu.memory_space<vmem>>
        %dma_start3A_51 = tpu.memref_squeeze %dma_start3A_50 : memref<1x128xi32, #tpu.memory_space<vmem>> -> memref<128xi32, #tpu.memory_space<vmem>>
        %dma_start3A_52 = arith.constant 0 : i32
        %dma_start3A_53 = arith.constant 0 : i32
        %dma_start3A_54 = tpu.memref_slice %arg13[%dma_start3A_52, %dma_start3A_53] : memref<10240x40xf32, #tpu.memory_space<vmem_shared>> -> memref<10240x40xf32, #tpu.memory_space<vmem_shared>>
        tpu.enqueue_indirect_dma source(%arg9 : memref<128x40xf32, #tpu.memory_space<vmem>>) target(%dma_start3A_54 : memref<10240x40xf32, #tpu.memory_space<vmem_shared>>) offsets(%dma_start3A_51 : memref<128xi32, #tpu.memory_space<vmem>>) semaphore(%run_scoped3A : memref<!tpu.dma_semaphore, #tpu.memory_space<semaphore_mem>>) {add = true}
        %dma_wait3A_55 = arith.constant 0 : i32
        %dma_wait3A_56 = tpu.memref_slice %arg8[%add3A_21, %dma_wait3A_55] : memref<80x128xi32, #tpu.memory_space<vmem>> -> memref<1x128xi32, #tpu.memory_space<vmem>>
        %dma_wait3A_57 = tpu.memref_squeeze %dma_wait3A_56 : memref<1x128xi32, #tpu.memory_space<vmem>> -> memref<128xi32, #tpu.memory_space<vmem>>
        %dma_wait3A_58 = arith.constant 0 : i32
        %dma_wait3A_59 = arith.constant 0 : i32
        %dma_wait3A_60 = tpu.memref_slice %arg13[%dma_wait3A_58, %dma_wait3A_59] : memref<10240x40xf32, #tpu.memory_space<vmem_shared>> -> memref<10240x40xf32, #tpu.memory_space<vmem_shared>>
        tpu.wait_indirect_dma semaphore(%run_scoped3A : memref<!tpu.dma_semaphore, #tpu.memory_space<semaphore_mem>>) src(%arg9 : memref<128x40xf32, #tpu.memory_space<vmem>>) dst(%dma_wait3A_60 : memref<10240x40xf32, #tpu.memory_space<vmem_shared>>)
        tpu.yield
      }) : () -> ()
      %add3A_32 = arith.constant 1 : i32
      %add3A_33 = arith.addi %mul3A_19, %add3A_32 : i32
      %dma_wait3A_34 = arith.constant 0 : i32
      %dma_wait3A_35 = tpu.memref_slice %arg7[%add3A_33, %dma_wait3A_34] : memref<80x128xi32, #tpu.memory_space<vmem>> -> memref<1x128xi32, #tpu.memory_space<vmem>>
      %dma_wait3A_36 = tpu.memref_squeeze %dma_wait3A_35 : memref<1x128xi32, #tpu.memory_space<vmem>> -> memref<128xi32, #tpu.memory_space<vmem>>
      %dma_wait3A_37 = arith.constant 0 : i32
      %dma_wait3A_38 = arith.constant 0 : i32
      %dma_wait3A_39 = tpu.memref_slice %arg14[%dma_wait3A_37, %dma_wait3A_38] : memref<10240x40xf32, #tpu.memory_space<vmem_shared>> -> memref<10240x40xf32, #tpu.memory_space<vmem_shared>>
      tpu.wait_indirect_dma semaphore(%arg12 : memref<!tpu.dma_semaphore, #tpu.memory_space<semaphore_mem>>) src(%dma_wait3A_39 : memref<10240x40xf32, #tpu.memory_space<vmem_shared>>) dst(%arg10 : memref<128x40xf32, #tpu.memory_space<vmem>>)
      %add3A_40 = arith.constant 2 : i32
      %add3A_41 = arith.addi %add3A_33, %add3A_40 : i32
      %sub3A_42 = arith.constant 1 : i32
      %sub3A_43 = arith.subi %add3A_41, %sub3A_42 : i32
      %lt3A_44 = arith.constant 80 : i32
      %lt3A_45 = arith.cmpi slt, %sub3A_43, %lt3A_44 : i32
      %convert_element_type3A_46 = arith.extui %lt3A_45 : i1 to i32
      %cond3A_47 = arith.constant 0 : i32
      %cond3A_48 = arith.cmpi ne, %convert_element_type3A_46, %cond3A_47 : i32
      scf.if %cond3A_48 {
        %add3A_49 = arith.constant 2 : i32
        %add3A_50 = arith.addi %add3A_33, %add3A_49 : i32
        %sub3A_51 = arith.constant 1 : i32
        %sub3A_52 = arith.subi %add3A_50, %sub3A_51 : i32
        %dma_start3A_53 = arith.constant 0 : i32
        %dma_start3A_54 = tpu.memref_slice %arg7[%sub3A_52, %dma_start3A_53] : memref<80x128xi32, #tpu.memory_space<vmem>> -> memref<1x128xi32, #tpu.memory_space<vmem>>
        %dma_start3A_55 = tpu.memref_squeeze %dma_start3A_54 : memref<1x128xi32, #tpu.memory_space<vmem>> -> memref<128xi32, #tpu.memory_space<vmem>>
        %dma_start3A_56 = arith.constant 0 : i32
        %dma_start3A_57 = arith.constant 0 : i32
        %dma_start3A_58 = tpu.memref_slice %arg14[%dma_start3A_56, %dma_start3A_57] : memref<10240x40xf32, #tpu.memory_space<vmem_shared>> -> memref<10240x40xf32, #tpu.memory_space<vmem_shared>>
        tpu.enqueue_indirect_dma source(%dma_start3A_58 : memref<10240x40xf32, #tpu.memory_space<vmem_shared>>) target(%arg9 : memref<128x40xf32, #tpu.memory_space<vmem>>) offsets(%dma_start3A_55 : memref<128xi32, #tpu.memory_space<vmem>>) semaphore(%arg11 : memref<!tpu.dma_semaphore, #tpu.memory_space<semaphore_mem>>)
      } else {
      }
      "tpu.region"() ({
        %run_scoped3A = tpu.sem_alloc : memref<!tpu.dma_semaphore, #tpu.memory_space<semaphore_mem>>
        %dma_start3A_49 = arith.constant 0 : i32
        %dma_start3A_50 = tpu.memref_slice %arg8[%add3A_33, %dma_start3A_49] : memref<80x128xi32, #tpu.memory_space<vmem>> -> memref<1x128xi32, #tpu.memory_space<vmem>>
        %dma_start3A_51 = tpu.memref_squeeze %dma_start3A_50 : memref<1x128xi32, #tpu.memory_space<vmem>> -> memref<128xi32, #tpu.memory_space<vmem>>
        %dma_start3A_52 = arith.constant 0 : i32
        %dma_start3A_53 = arith.constant 0 : i32
        %dma_start3A_54 = tpu.memref_slice %arg13[%dma_start3A_52, %dma_start3A_53] : memref<10240x40xf32, #tpu.memory_space<vmem_shared>> -> memref<10240x40xf32, #tpu.memory_space<vmem_shared>>
        tpu.enqueue_indirect_dma source(%arg10 : memref<128x40xf32, #tpu.memory_space<vmem>>) target(%dma_start3A_54 : memref<10240x40xf32, #tpu.memory_space<vmem_shared>>) offsets(%dma_start3A_51 : memref<128xi32, #tpu.memory_space<vmem>>) semaphore(%run_scoped3A : memref<!tpu.dma_semaphore, #tpu.memory_space<semaphore_mem>>) {add = true}
        %dma_wait3A_55 = arith.constant 0 : i32
        %dma_wait3A_56 = tpu.memref_slice %arg8[%add3A_33, %dma_wait3A_55] : memref<80x128xi32, #tpu.memory_space<vmem>> -> memref<1x128xi32, #tpu.memory_space<vmem>>
        %dma_wait3A_57 = tpu.memref_squeeze %dma_wait3A_56 : memref<1x128xi32, #tpu.memory_space<vmem>> -> memref<128xi32, #tpu.memory_space<vmem>>
        %dma_wait3A_58 = arith.constant 0 : i32
        %dma_wait3A_59 = arith.constant 0 : i32
        %dma_wait3A_60 = tpu.memref_slice %arg13[%dma_wait3A_58, %dma_wait3A_59] : memref<10240x40xf32, #tpu.memory_space<vmem_shared>> -> memref<10240x40xf32, #tpu.memory_space<vmem_shared>>
        tpu.wait_indirect_dma semaphore(%run_scoped3A : memref<!tpu.dma_semaphore, #tpu.memory_space<semaphore_mem>>) src(%arg10 : memref<128x40xf32, #tpu.memory_space<vmem>>) dst(%dma_wait3A_60 : memref<10240x40xf32, #tpu.memory_space<vmem_shared>>)
        tpu.yield
      }) : () -> ()
    }
    %scan3A_13 = arith.constant 40 : i32
    %barrier3A_14 = arith.constant 0 : index
    tpu.barrier barrier_id(%barrier3A_14)
    %mul3A_15 = arith.constant 64 : i32
    %mul3A_16 = arith.muli %arg0, %mul3A_15 : i32
    "tpu.region"() ({
      %run_scoped3A = tpu.sem_alloc : memref<!tpu.dma_semaphore, #tpu.memory_space<semaphore_mem>>
      %dma_start3A_17 = tpu.memref_slice %arg6[%mul3A_2, %mul3A_16] : memref<10240x128xf32, #tpu.memory_space<hbm>> -> memref<640x40xf32, #tpu.memory_space<hbm>>
      %dma_start3A_18 = arith.constant 0 : i32
      %dma_start3A_19 = tpu.memref_slice %arg13[%mul3A_2, %dma_start3A_18] : memref<10240x40xf32, #tpu.memory_space<vmem_shared>> -> memref<640x40xf32, #tpu.memory_space<vmem_shared>>
      tpu.enqueue_dma source(%dma_start3A_19 : memref<640x40xf32, #tpu.memory_space<vmem_shared>>) target(%dma_start3A_17 : memref<640x40xf32, #tpu.memory_space<hbm>>) target_semaphore(%run_scoped3A : memref<!tpu.dma_semaphore, #tpu.memory_space<semaphore_mem>>)
      %dma_wait3A = tpu.memref_slice %arg6[%mul3A_2, %mul3A_16] : memref<10240x128xf32, #tpu.memory_space<hbm>> -> memref<640x40xf32, #tpu.memory_space<hbm>>
      %dma_wait3A_20 = arith.constant 0 : i32
      %dma_wait3A_21 = tpu.memref_slice %arg13[%mul3A_2, %dma_wait3A_20] : memref<10240x40xf32, #tpu.memory_space<vmem_shared>> -> memref<640x40xf32, #tpu.memory_space<vmem_shared>>
      tpu.wait_dma2 semaphore(%run_scoped3A : memref<!tpu.dma_semaphore, #tpu.memory_space<semaphore_mem>>) src(%dma_wait3A_21 : memref<640x40xf32, #tpu.memory_space<vmem_shared>>) dst(%dma_wait3A : memref<640x40xf32, #tpu.memory_space<hbm>>)
      tpu.yield
    }) : () -> ()
    return
  }
}

module attributes {stable_mosaic.version = 14 : i64} {
  func.func @_tc_pre_body(%arg0: i32, %arg1: memref<2048x128xf32, #tpu.memory_space<vmem>>, %arg2: memref<3x2048x128xf32, #tpu.memory_space<vmem>>, %arg3: memref<128x64xf32, #tpu.memory_space<vmem>>, %arg4: memref<128x64xf32, #tpu.memory_space<vmem>>, %arg5: memref<1x64xf32, #tpu.memory_space<vmem>>, %arg6: memref<128x64xf32, #tpu.memory_space<vmem>>, %arg7: memref<128x64xf32, #tpu.memory_space<vmem>>, %arg8: memref<1x64xf32, #tpu.memory_space<vmem>>, %arg9: memref<2048x64xf32, #tpu.memory_space<vmem>>, %arg10: memref<2048x64xf32, #tpu.memory_space<vmem>>, %arg11: memref<2048x64xf32, #tpu.memory_space<vmem>>) attributes {dimension_semantics = [#tpu.dimension_semantics<arbitrary>], iteration_bounds = array<i64: 5>, scalar_prefetch = 0 : i64, scratch_operands = 0 : i64, tpu.core_type = #tpu.core_type<tc>, window_params = [{transform_indices = @transform_0, window_bounds = array<i64: 2048, 128>}, {transform_indices = @transform_1, window_bounds = array<i64: 3, 2048, 128>}, {pipeline_mode = #tpu.pipeline_mode<synchronous>, transform_indices = @transform_2, window_bounds = array<i64: 128, 64>}, {pipeline_mode = #tpu.pipeline_mode<synchronous>, transform_indices = @transform_3, window_bounds = array<i64: 128, 64>}, {pipeline_mode = #tpu.pipeline_mode<synchronous>, transform_indices = @transform_4, window_bounds = array<i64: 1, 64>}, {pipeline_mode = #tpu.pipeline_mode<synchronous>, transform_indices = @transform_5, window_bounds = array<i64: 128, 64>}, {pipeline_mode = #tpu.pipeline_mode<synchronous>, transform_indices = @transform_6, window_bounds = array<i64: 128, 64>}, {pipeline_mode = #tpu.pipeline_mode<synchronous>, transform_indices = @transform_7, window_bounds = array<i64: 1, 64>}, {transform_indices = @transform_8, window_bounds = array<i64: 2048, 64>}, {transform_indices = @transform_9, window_bounds = array<i64: 2048, 64>}, {transform_indices = @transform_10, window_bounds = array<i64: 2048, 64>}]} {
    %get3A = arith.constant 0 : index
    %get3A_0 = arith.constant 0 : index
    %get3A_1 = arith.constant 0 : index
    %get3A_2 = vector.load %arg2[%get3A, %get3A_0, %get3A_1] : memref<3x2048x128xf32, #tpu.memory_space<vmem>>, vector<1x2048x128xf32>
    %get3A_3 = vector.shape_cast %get3A_2 : vector<1x2048x128xf32> to vector<2048x128xf32>
    %get3A_4 = arith.constant 0 : index
    %get3A_5 = arith.constant 0 : index
    %get3A_6 = vector.load %arg4[%get3A_4, %get3A_5] : memref<128x64xf32, #tpu.memory_space<vmem>>, vector<128x64xf32>
    %dot_general3A = arith.constant dense<0.000000e+00> : vector<2048x64xf32>
    %dot_general3A_7 = tpu.matmul %get3A_3, %get3A_6, %dot_general3A {dimension_numbers = #tpu.dot_dimension_numbers<[1], [0], [0], [1], [0, 0, 1, 1], [], []>, transpose_lhs_hint = false} : vector<2048x128xf32>, vector<128x64xf32>, vector<2048x64xf32> -> vector<2048x64xf32>
    %get3A_8 = arith.constant 0 : index
    %get3A_9 = arith.constant 0 : index
    %get3A_10 = vector.load %arg5[%get3A_8, %get3A_9] : memref<1x64xf32, #tpu.memory_space<vmem>>, vector<1x64xf32>
    %add3A = vector.broadcast %get3A_10 : vector<1x64xf32> to vector<2048x64xf32>
    %add3A_11 = arith.addf %dot_general3A_7, %add3A : vector<2048x64xf32>
    %max3A = arith.constant 0.000000e+00 : f32
    %max3A_12 = vector.broadcast %max3A : f32 to vector<2048x64xf32>
    %max3A_13 = arith.maximumf %add3A_11, %max3A_12 : vector<2048x64xf32>
    %swap3A = arith.constant 0 : index
    %swap3A_14 = arith.constant 0 : index
    %swap3A_15 = vector.load %arg10[%swap3A, %swap3A_14] : memref<2048x64xf32, #tpu.memory_space<vmem>>, vector<2048x64xf32>
    tpu.vector_store %arg10[%swap3A, %swap3A_14], %max3A_13 {strides = array<i32>} : memref<2048x64xf32, #tpu.memory_space<vmem>>, vector<2048x64xf32>,
    %get3A_16 = arith.constant 1 : index
    %get3A_17 = arith.constant 0 : index
    %get3A_18 = arith.constant 0 : index
    %get3A_19 = vector.load %arg2[%get3A_16, %get3A_17, %get3A_18] : memref<3x2048x128xf32, #tpu.memory_space<vmem>>, vector<1x2048x128xf32>
    %get3A_20 = vector.shape_cast %get3A_19 : vector<1x2048x128xf32> to vector<2048x128xf32>
    %get3A_21 = arith.constant 0 : index
    %get3A_22 = arith.constant 0 : index
    %get3A_23 = vector.load %arg6[%get3A_21, %get3A_22] : memref<128x64xf32, #tpu.memory_space<vmem>>, vector<128x64xf32>
    %dot_general3A_24 = arith.constant dense<0.000000e+00> : vector<2048x64xf32>
    %dot_general3A_25 = tpu.matmul %get3A_20, %get3A_23, %dot_general3A_24 {dimension_numbers = #tpu.dot_dimension_numbers<[1], [0], [0], [1], [0, 0, 1, 1], [], []>, transpose_lhs_hint = false} : vector<2048x128xf32>, vector<128x64xf32>, vector<2048x64xf32> -> vector<2048x64xf32>
    %get3A_26 = arith.constant 2 : index
    %get3A_27 = arith.constant 0 : index
    %get3A_28 = arith.constant 0 : index
    %get3A_29 = vector.load %arg2[%get3A_26, %get3A_27, %get3A_28] : memref<3x2048x128xf32, #tpu.memory_space<vmem>>, vector<1x2048x128xf32>
    %get3A_30 = vector.shape_cast %get3A_29 : vector<1x2048x128xf32> to vector<2048x128xf32>
    %get3A_31 = arith.constant 0 : index
    %get3A_32 = arith.constant 0 : index
    %get3A_33 = vector.load %arg7[%get3A_31, %get3A_32] : memref<128x64xf32, #tpu.memory_space<vmem>>, vector<128x64xf32>
    %dot_general3A_34 = arith.constant dense<0.000000e+00> : vector<2048x64xf32>
    %dot_general3A_35 = tpu.matmul %get3A_30, %get3A_33, %dot_general3A_34 {dimension_numbers = #tpu.dot_dimension_numbers<[1], [0], [0], [1], [0, 0, 1, 1], [], []>, transpose_lhs_hint = false} : vector<2048x128xf32>, vector<128x64xf32>, vector<2048x64xf32> -> vector<2048x64xf32>
    %add3A_36 = arith.addf %dot_general3A_25, %dot_general3A_35 : vector<2048x64xf32>
    %get3A_37 = arith.constant 0 : index
    %get3A_38 = arith.constant 0 : index
    %get3A_39 = vector.load %arg8[%get3A_37, %get3A_38] : memref<1x64xf32, #tpu.memory_space<vmem>>, vector<1x64xf32>
    %add3A_40 = vector.broadcast %get3A_39 : vector<1x64xf32> to vector<2048x64xf32>
    %add3A_41 = arith.addf %add3A_36, %add3A_40 : vector<2048x64xf32>
    %max3A_42 = arith.constant 0.000000e+00 : f32
    %max3A_43 = vector.broadcast %max3A_42 : f32 to vector<2048x64xf32>
    %max3A_44 = arith.maximumf %add3A_41, %max3A_43 : vector<2048x64xf32>
    %swap3A_45 = arith.constant 0 : index
    %swap3A_46 = arith.constant 0 : index
    %swap3A_47 = vector.load %arg11[%swap3A_45, %swap3A_46] : memref<2048x64xf32, #tpu.memory_space<vmem>>, vector<2048x64xf32>
    tpu.vector_store %arg11[%swap3A_45, %swap3A_46], %max3A_44 {strides = array<i32>} : memref<2048x64xf32, #tpu.memory_space<vmem>>, vector<2048x64xf32>,
    %get3A_48 = arith.constant 0 : index
    %get3A_49 = arith.constant 0 : index
    %get3A_50 = vector.load %arg1[%get3A_48, %get3A_49] : memref<2048x128xf32, #tpu.memory_space<vmem>>, vector<2048x128xf32>
    %get3A_51 = arith.constant 0 : index
    %get3A_52 = arith.constant 0 : index
    %get3A_53 = vector.load %arg3[%get3A_51, %get3A_52] : memref<128x64xf32, #tpu.memory_space<vmem>>, vector<128x64xf32>
    %dot_general3A_54 = arith.constant dense<0.000000e+00> : vector<2048x64xf32>
    %dot_general3A_55 = tpu.matmul %get3A_50, %get3A_53, %dot_general3A_54 {dimension_numbers = #tpu.dot_dimension_numbers<[1], [0], [0], [1], [0, 0, 1, 1], [], []>, transpose_lhs_hint = false} : vector<2048x128xf32>, vector<128x64xf32>, vector<2048x64xf32> -> vector<2048x64xf32>
    %swap3A_56 = arith.constant 0 : index
    %swap3A_57 = arith.constant 0 : index
    %swap3A_58 = vector.load %arg9[%swap3A_56, %swap3A_57] : memref<2048x64xf32, #tpu.memory_space<vmem>>, vector<2048x64xf32>
    tpu.vector_store %arg9[%swap3A_56, %swap3A_57], %dot_general3A_55 {strides = array<i32>} : memref<2048x64xf32, #tpu.memory_space<vmem>>, vector<2048x64xf32>,
    return
  }
  func.func @transform_0(%arg0: i32) -> (i32, i32) {
    %c0_i32 = arith.constant 0 : i32
    %c0_i32_0 = arith.constant 0 : i32
    return %arg0, %c0_i32 : i32, i32
  }
  func.func @transform_1(%arg0: i32) -> (i32, i32, i32) {
    %c0_i32 = arith.constant 0 : i32
    %c0_i32_0 = arith.constant 0 : i32
    %c0_i32_1 = arith.constant 0 : i32
    return %c0_i32, %arg0, %c0_i32_0 : i32, i32, i32
  }
  func.func @transform_2(%arg0: i32) -> (i32, i32) {
    %c0_i32 = arith.constant 0 : i32
    %c0_i32_0 = arith.constant 0 : i32
    %c0_i32_1 = arith.constant 0 : i32
    return %c0_i32, %c0_i32_0 : i32, i32
  }
  func.func @transform_3(%arg0: i32) -> (i32, i32) {
    %c0_i32 = arith.constant 0 : i32
    %c0_i32_0 = arith.constant 0 : i32
    %c0_i32_1 = arith.constant 0 : i32
    return %c0_i32, %c0_i32_0 : i32, i32
  }
  func.func @transform_4(%arg0: i32) -> (i32, i32) {
    %c0_i32 = arith.constant 0 : i32
    %c0_i32_0 = arith.constant 0 : i32
    %c0_i32_1 = arith.constant 0 : i32
    return %c0_i32, %c0_i32_0 : i32, i32
  }
  func.func @transform_5(%arg0: i32) -> (i32, i32) {
    %c0_i32 = arith.constant 0 : i32
    %c0_i32_0 = arith.constant 0 : i32
    %c0_i32_1 = arith.constant 0 : i32
    return %c0_i32, %c0_i32_0 : i32, i32
  }
  func.func @transform_6(%arg0: i32) -> (i32, i32) {
    %c0_i32 = arith.constant 0 : i32
    %c0_i32_0 = arith.constant 0 : i32
    %c0_i32_1 = arith.constant 0 : i32
    return %c0_i32, %c0_i32_0 : i32, i32
  }
  func.func @transform_7(%arg0: i32) -> (i32, i32) {
    %c0_i32 = arith.constant 0 : i32
    %c0_i32_0 = arith.constant 0 : i32
    %c0_i32_1 = arith.constant 0 : i32
    return %c0_i32, %c0_i32_0 : i32, i32
  }
  func.func @transform_8(%arg0: i32) -> (i32, i32) {
    %c0_i32 = arith.constant 0 : i32
    %c0_i32_0 = arith.constant 0 : i32
    return %arg0, %c0_i32 : i32, i32
  }
  func.func @transform_9(%arg0: i32) -> (i32, i32) {
    %c0_i32 = arith.constant 0 : i32
    %c0_i32_0 = arith.constant 0 : i32
    return %arg0, %c0_i32 : i32, i32
  }
  func.func @transform_10(%arg0: i32) -> (i32, i32) {
    %c0_i32 = arith.constant 0 : i32
    %c0_i32_0 = arith.constant 0 : i32
    return %arg0, %c0_i32 : i32, i32
  }
}

module attributes {stable_mosaic.version = 14 : i64} {
  func.func @_tc_scale_body(%arg0: i32, %arg1: memref<2x2048xf32, #tpu.memory_space<vmem>>, %arg2: memref<2048x64xf32, #tpu.memory_space<vmem>>, %arg3: memref<2048x128xf32, #tpu.memory_space<vmem>>, %arg4: memref<2048x1xf32, #tpu.memory_space<vmem>>) attributes {dimension_semantics = [#tpu.dimension_semantics<arbitrary>], iteration_bounds = array<i64: 5>, scalar_prefetch = 0 : i64, scratch_operands = 0 : i64, tpu.core_type = #tpu.core_type<tc>, window_params = [{transform_indices = @transform_0, window_bounds = array<i64: 2, 2048>}, {transform_indices = @transform_1, window_bounds = array<i64: 2048, 64>}, {transform_indices = @transform_2, window_bounds = array<i64: 2048, 128>}, {transform_indices = @transform_3, window_bounds = array<i64: 2048, 1>}]} {
    %get3A = arith.constant 0 : index
    %get3A_0 = arith.constant 0 : index
    %get3A_1 = vector.load %arg1[%get3A, %get3A_0] : memref<2x2048xf32, #tpu.memory_space<vmem>>, vector<1x2048xf32>
    %get3A_2 = vector.shape_cast %get3A_1 : vector<1x2048xf32> to vector<2048xf32>
    %get3A_3 = arith.constant 1 : index
    %get3A_4 = arith.constant 0 : index
    %get3A_5 = vector.load %arg1[%get3A_3, %get3A_4] : memref<2x2048xf32, #tpu.memory_space<vmem>>, vector<1x2048xf32>
    %get3A_6 = vector.shape_cast %get3A_5 : vector<1x2048xf32> to vector<2048xf32>
    %add3A = arith.addf %get3A_2, %get3A_6 : vector<2048xf32>
    %add3A_7 = arith.constant 1.000000e+00 : f32
    %add3A_8 = vector.broadcast %add3A_7 : f32 to vector<2048xf32>
    %add3A_9 = arith.addf %add3A, %add3A_8 : vector<2048xf32>
    %rsqrt3A = math.rsqrt %add3A_9 : vector<2048xf32>
    %broadcast_in_dim3A = vector.shape_cast %rsqrt3A : vector<2048xf32> to vector<2048x1xf32>
    %swap3A = arith.constant 0 : index
    %swap3A_10 = arith.constant 0 : index
    %swap3A_11 = vector.load %arg4[%swap3A, %swap3A_10] : memref<2048x1xf32, #tpu.memory_space<vmem>>, vector<2048x1xf32>
    tpu.vector_store %arg4[%swap3A, %swap3A_10], %broadcast_in_dim3A {strides = array<i32>} : memref<2048x1xf32, #tpu.memory_space<vmem>>, vector<2048x1xf32>,
    %get3A_12 = arith.constant 0 : index
    %get3A_13 = arith.constant 0 : index
    %get3A_14 = vector.load %arg2[%get3A_12, %get3A_13] : memref<2048x64xf32, #tpu.memory_space<vmem>>, vector<2048x64xf32>
    %mul3A = vector.broadcast %broadcast_in_dim3A : vector<2048x1xf32> to vector<2048x64xf32>
    %mul3A_15 = arith.mulf %get3A_14, %mul3A : vector<2048x64xf32>
    %broadcast_in_dim3A_16 = arith.constant 0.000000e+00 : f32
    %broadcast_in_dim3A_17 = vector.broadcast %broadcast_in_dim3A_16 : f32 to vector<2048x64xf32>
    %concatenate3A = tpu.concatenate %mul3A_15, %broadcast_in_dim3A_17 in 1 : vector<2048x64xf32>, vector<2048x64xf32> -> vector<2048x128xf32>
    %swap3A_18 = arith.constant 0 : index
    %swap3A_19 = arith.constant 0 : index
    %swap3A_20 = vector.load %arg3[%swap3A_18, %swap3A_19] : memref<2048x128xf32, #tpu.memory_space<vmem>>, vector<2048x128xf32>
    tpu.vector_store %arg3[%swap3A_18, %swap3A_19], %concatenate3A {strides = array<i32>} : memref<2048x128xf32, #tpu.memory_space<vmem>>, vector<2048x128xf32>,
    return
  }
  func.func @transform_0(%arg0: i32) -> (i32, i32) {
    %c0_i32 = arith.constant 0 : i32
    %c0_i32_0 = arith.constant 0 : i32
    return %c0_i32, %arg0 : i32, i32
  }
  func.func @transform_1(%arg0: i32) -> (i32, i32) {
    %c0_i32 = arith.constant 0 : i32
    %c0_i32_0 = arith.constant 0 : i32
    return %arg0, %c0_i32 : i32, i32
  }
  func.func @transform_2(%arg0: i32) -> (i32, i32) {
    %c0_i32 = arith.constant 0 : i32
    %c0_i32_0 = arith.constant 0 : i32
    return %arg0, %c0_i32 : i32, i32
  }
  func.func @transform_3(%arg0: i32) -> (i32, i32) {
    %c0_i32 = arith.constant 0 : i32
    %c0_i32_0 = arith.constant 0 : i32
    return %arg0, %c0_i32 : i32, i32
  }
}

module attributes {stable_mosaic.version = 14 : i64} {
  func.func @_tc_hide_body(%arg0: i32, %arg1: memref<2048x64xf32, #tpu.memory_space<vmem>>, %arg2: memref<2048x64xf32, #tpu.memory_space<vmem>>, %arg3: memref<64x64xf32, #tpu.memory_space<vmem>>, %arg4: memref<64x40xf32, #tpu.memory_space<vmem>>, %arg5: memref<2048x64xf32, #tpu.memory_space<vmem>>, %arg6: memref<2048x40xf32, #tpu.memory_space<vmem>>) attributes {dimension_semantics = [#tpu.dimension_semantics<arbitrary>], iteration_bounds = array<i64: 5>, scalar_prefetch = 0 : i64, scratch_operands = 0 : i64, tpu.core_type = #tpu.core_type<tc>, window_params = [{transform_indices = @transform_0, window_bounds = array<i64: 2048, 64>}, {transform_indices = @transform_1, window_bounds = array<i64: 2048, 64>}, {pipeline_mode = #tpu.pipeline_mode<synchronous>, transform_indices = @transform_2, window_bounds = array<i64: 64, 64>}, {pipeline_mode = #tpu.pipeline_mode<synchronous>, transform_indices = @transform_3, window_bounds = array<i64: 64, 40>}, {transform_indices = @transform_4, window_bounds = array<i64: 2048, 64>}, {transform_indices = @transform_5, window_bounds = array<i64: 2048, 40>}]} {
    %get3A = arith.constant 0 : index
    %get3A_0 = arith.constant 0 : index
    %get3A_1 = vector.load %arg1[%get3A, %get3A_0] : memref<2048x64xf32, #tpu.memory_space<vmem>>, vector<2048x64xf32>
    %get3A_2 = arith.constant 0 : index
    %get3A_3 = arith.constant 0 : index
    %get3A_4 = vector.load %arg3[%get3A_2, %get3A_3] : memref<64x64xf32, #tpu.memory_space<vmem>>, vector<64x64xf32>
    %dot_general3A = arith.constant dense<0.000000e+00> : vector<2048x64xf32>
    %dot_general3A_5 = tpu.matmul %get3A_1, %get3A_4, %dot_general3A {dimension_numbers = #tpu.dot_dimension_numbers<[1], [0], [0], [1], [0, 0, 1, 1], [], []>, transpose_lhs_hint = false} : vector<2048x64xf32>, vector<64x64xf32>, vector<2048x64xf32> -> vector<2048x64xf32>
    %swap3A = arith.constant 0 : index
    %swap3A_6 = arith.constant 0 : index
    %swap3A_7 = vector.load %arg5[%swap3A, %swap3A_6] : memref<2048x64xf32, #tpu.memory_space<vmem>>, vector<2048x64xf32>
    tpu.vector_store %arg5[%swap3A, %swap3A_6], %dot_general3A_5 {strides = array<i32>} : memref<2048x64xf32, #tpu.memory_space<vmem>>, vector<2048x64xf32>,
    %get3A_8 = arith.constant 0 : index
    %get3A_9 = arith.constant 0 : index
    %get3A_10 = vector.load %arg2[%get3A_8, %get3A_9] : memref<2048x64xf32, #tpu.memory_space<vmem>>, vector<2048x64xf32>
    %get3A_11 = arith.constant 0 : index
    %get3A_12 = arith.constant 0 : index
    %get3A_13 = vector.load %arg4[%get3A_11, %get3A_12] : memref<64x40xf32, #tpu.memory_space<vmem>>, vector<64x40xf32>
    %dot_general3A_14 = arith.constant dense<0.000000e+00> : vector<2048x40xf32>
    %dot_general3A_15 = tpu.matmul %get3A_10, %get3A_13, %dot_general3A_14 {dimension_numbers = #tpu.dot_dimension_numbers<[1], [0], [0], [1], [0, 0, 1, 1], [], []>, transpose_lhs_hint = false} : vector<2048x64xf32>, vector<64x40xf32>, vector<2048x40xf32> -> vector<2048x40xf32>
    %swap3A_16 = arith.constant 0 : index
    %swap3A_17 = arith.constant 0 : index
    %swap3A_18 = vector.load %arg6[%swap3A_16, %swap3A_17] : memref<2048x40xf32, #tpu.memory_space<vmem>>, vector<2048x40xf32>
    tpu.vector_store %arg6[%swap3A_16, %swap3A_17], %dot_general3A_15 {strides = array<i32>} : memref<2048x40xf32, #tpu.memory_space<vmem>>, vector<2048x40xf32>,
    return
  }
  func.func @transform_0(%arg0: i32) -> (i32, i32) {
    %c0_i32 = arith.constant 0 : i32
    %c0_i32_0 = arith.constant 0 : i32
    return %arg0, %c0_i32 : i32, i32
  }
  func.func @transform_1(%arg0: i32) -> (i32, i32) {
    %c0_i32 = arith.constant 0 : i32
    %c0_i32_0 = arith.constant 0 : i32
    return %arg0, %c0_i32 : i32, i32
  }
  func.func @transform_2(%arg0: i32) -> (i32, i32) {
    %c0_i32 = arith.constant 0 : i32
    %c0_i32_0 = arith.constant 0 : i32
    %c0_i32_1 = arith.constant 0 : i32
    return %c0_i32, %c0_i32_0 : i32, i32
  }
  func.func @transform_3(%arg0: i32) -> (i32, i32) {
    %c0_i32 = arith.constant 0 : i32
    %c0_i32_0 = arith.constant 0 : i32
    %c0_i32_1 = arith.constant 0 : i32
    return %c0_i32, %c0_i32_0 : i32, i32
  }
  func.func @transform_4(%arg0: i32) -> (i32, i32) {
    %c0_i32 = arith.constant 0 : i32
    %c0_i32_0 = arith.constant 0 : i32
    return %arg0, %c0_i32 : i32, i32
  }
  func.func @transform_5(%arg0: i32) -> (i32, i32) {
    %c0_i32 = arith.constant 0 : i32
    %c0_i32_0 = arith.constant 0 : i32
    return %arg0, %c0_i32 : i32, i32
  }
}

module attributes {stable_mosaic.version = 14 : i64} {
  func.func @_tc_mid1_body(%arg0: i32, %arg1: memref<2048x128xf32, #tpu.memory_space<vmem>>, %arg2: memref<2048x128xf32, #tpu.memory_space<vmem>>, %arg3: memref<2048x64xf32, #tpu.memory_space<vmem>>, %arg4: memref<2048x1xf32, #tpu.memory_space<vmem>>, %arg5: memref<1x64xf32, #tpu.memory_space<vmem>>, %arg6: memref<64x64xf32, #tpu.memory_space<vmem>>, %arg7: memref<2048x128xf32, #tpu.memory_space<vmem>>) attributes {dimension_semantics = [#tpu.dimension_semantics<arbitrary>], iteration_bounds = array<i64: 5>, scalar_prefetch = 0 : i64, scratch_operands = 0 : i64, tpu.core_type = #tpu.core_type<tc>, window_params = [{transform_indices = @transform_0, window_bounds = array<i64: 2048, 128>}, {transform_indices = @transform_1, window_bounds = array<i64: 2048, 128>}, {transform_indices = @transform_2, window_bounds = array<i64: 2048, 64>}, {transform_indices = @transform_3, window_bounds = array<i64: 2048, 1>}, {pipeline_mode = #tpu.pipeline_mode<synchronous>, transform_indices = @transform_4, window_bounds = array<i64: 1, 64>}, {pipeline_mode = #tpu.pipeline_mode<synchronous>, transform_indices = @transform_5, window_bounds = array<i64: 64, 64>}, {transform_indices = @transform_6, window_bounds = array<i64: 2048, 128>}]} {
    %get3A = arith.constant 0 : index
    %get3A_0 = arith.constant 0 : index
    %get3A_1 = vector.load %arg4[%get3A, %get3A_0] : memref<2048x1xf32, #tpu.memory_space<vmem>>, vector<2048x1xf32>
    %get3A_2 = arith.constant 0 : index
    %get3A_3 = arith.constant 0 : index
    %get3A_4 = vector.load %arg1[%get3A_2, %get3A_3] : memref<2048x128xf32, #tpu.memory_space<vmem>>, vector<2048x128xf32>
    %slice3A = vector.extract_strided_slice %get3A_4 {offsets = [0, 0], sizes = [2048, 64], strides = [1, 1]} : vector<2048x128xf32> to vector<2048x64xf32>
    %slice3A_5 = vector.extract_strided_slice %get3A_4 {offsets = [0, 64], sizes = [2048, 64], strides = [1, 1]} : vector<2048x128xf32> to vector<2048x64xf32>
    %add3A = arith.addf %slice3A, %slice3A_5 : vector<2048x64xf32>
    %get3A_6 = arith.constant 0 : index
    %get3A_7 = arith.constant 0 : index
    %get3A_8 = vector.load %arg2[%get3A_6, %get3A_7] : memref<2048x128xf32, #tpu.memory_space<vmem>>, vector<2048x128xf32>
    %slice3A_9 = vector.extract_strided_slice %get3A_8 {offsets = [0, 0], sizes = [2048, 64], strides = [1, 1]} : vector<2048x128xf32> to vector<2048x64xf32>
    %add3A_10 = arith.addf %add3A, %slice3A_9 : vector<2048x64xf32>
    %mul3A = vector.broadcast %get3A_1 : vector<2048x1xf32> to vector<2048x64xf32>
    %mul3A_11 = arith.mulf %mul3A, %add3A_10 : vector<2048x64xf32>
    %get3A_12 = arith.constant 0 : index
    %get3A_13 = arith.constant 0 : index
    %get3A_14 = vector.load %arg5[%get3A_12, %get3A_13] : memref<1x64xf32, #tpu.memory_space<vmem>>, vector<1x64xf32>
    %add3A_15 = vector.broadcast %get3A_14 : vector<1x64xf32> to vector<2048x64xf32>
    %add3A_16 = arith.addf %mul3A_11, %add3A_15 : vector<2048x64xf32>
    %max3A = arith.constant 0.000000e+00 : f32
    %max3A_17 = vector.broadcast %max3A : f32 to vector<2048x64xf32>
    %max3A_18 = arith.maximumf %add3A_16, %max3A_17 : vector<2048x64xf32>
    %get3A_19 = arith.constant 0 : index
    %get3A_20 = arith.constant 0 : index
    %get3A_21 = vector.load %arg3[%get3A_19, %get3A_20] : memref<2048x64xf32, #tpu.memory_space<vmem>>, vector<2048x64xf32>
    %get3A_22 = arith.constant 0 : index
    %get3A_23 = arith.constant 0 : index
    %get3A_24 = vector.load %arg6[%get3A_22, %get3A_23] : memref<64x64xf32, #tpu.memory_space<vmem>>, vector<64x64xf32>
    %dot_general3A = arith.constant dense<0.000000e+00> : vector<2048x64xf32>
    %dot_general3A_25 = tpu.matmul %max3A_18, %get3A_24, %dot_general3A {dimension_numbers = #tpu.dot_dimension_numbers<[1], [0], [0], [1], [0, 0, 1, 1], [], []>, transpose_lhs_hint = false} : vector<2048x64xf32>, vector<64x64xf32>, vector<2048x64xf32> -> vector<2048x64xf32>
    %add3A_26 = arith.addf %get3A_21, %dot_general3A_25 : vector<2048x64xf32>
    %mul3A_27 = vector.broadcast %get3A_1 : vector<2048x1xf32> to vector<2048x64xf32>
    %mul3A_28 = arith.mulf %add3A_26, %mul3A_27 : vector<2048x64xf32>
    %broadcast_in_dim3A = arith.constant 0.000000e+00 : f32
    %broadcast_in_dim3A_29 = vector.broadcast %broadcast_in_dim3A : f32 to vector<2048x64xf32>
    %concatenate3A = tpu.concatenate %mul3A_28, %broadcast_in_dim3A_29 in 1 : vector<2048x64xf32>, vector<2048x64xf32> -> vector<2048x128xf32>
    %swap3A = arith.constant 0 : index
    %swap3A_30 = arith.constant 0 : index
    %swap3A_31 = vector.load %arg7[%swap3A, %swap3A_30] : memref<2048x128xf32, #tpu.memory_space<vmem>>, vector<2048x128xf32>
    tpu.vector_store %arg7[%swap3A, %swap3A_30], %concatenate3A {strides = array<i32>} : memref<2048x128xf32, #tpu.memory_space<vmem>>, vector<2048x128xf32>,
    return
  }
  func.func @transform_0(%arg0: i32) -> (i32, i32) {
    %c0_i32 = arith.constant 0 : i32
    %c0_i32_0 = arith.constant 0 : i32
    return %arg0, %c0_i32 : i32, i32
  }
  func.func @transform_1(%arg0: i32) -> (i32, i32) {
    %c0_i32 = arith.constant 0 : i32
    %c0_i32_0 = arith.constant 0 : i32
    return %arg0, %c0_i32 : i32, i32
  }
  func.func @transform_2(%arg0: i32) -> (i32, i32) {
    %c0_i32 = arith.constant 0 : i32
    %c0_i32_0 = arith.constant 0 : i32
    return %arg0, %c0_i32 : i32, i32
  }
  func.func @transform_3(%arg0: i32) -> (i32, i32) {
    %c0_i32 = arith.constant 0 : i32
    %c0_i32_0 = arith.constant 0 : i32
    return %arg0, %c0_i32 : i32, i32
  }
  func.func @transform_4(%arg0: i32) -> (i32, i32) {
    %c0_i32 = arith.constant 0 : i32
    %c0_i32_0 = arith.constant 0 : i32
    %c0_i32_1 = arith.constant 0 : i32
    return %c0_i32, %c0_i32_0 : i32, i32
  }
  func.func @transform_5(%arg0: i32) -> (i32, i32) {
    %c0_i32 = arith.constant 0 : i32
    %c0_i32_0 = arith.constant 0 : i32
    %c0_i32_1 = arith.constant 0 : i32
    return %c0_i32, %c0_i32_0 : i32, i32
  }
  func.func @transform_6(%arg0: i32) -> (i32, i32) {
    %c0_i32 = arith.constant 0 : i32
    %c0_i32_0 = arith.constant 0 : i32
    return %arg0, %c0_i32 : i32, i32
  }
}

module attributes {stable_mosaic.version = 14 : i64} {
  func.func @_tc_mid2_body(%arg0: i32, %arg1: memref<2048x128xf32, #tpu.memory_space<vmem>>, %arg2: memref<2048x128xf32, #tpu.memory_space<vmem>>, %arg3: memref<2048x40xf32, #tpu.memory_space<vmem>>, %arg4: memref<2048x1xf32, #tpu.memory_space<vmem>>, %arg5: memref<1x64xf32, #tpu.memory_space<vmem>>, %arg6: memref<64x40xf32, #tpu.memory_space<vmem>>, %arg7: memref<2048x128xf32, #tpu.memory_space<vmem>>) attributes {dimension_semantics = [#tpu.dimension_semantics<arbitrary>], iteration_bounds = array<i64: 5>, scalar_prefetch = 0 : i64, scratch_operands = 0 : i64, tpu.core_type = #tpu.core_type<tc>, window_params = [{transform_indices = @transform_0, window_bounds = array<i64: 2048, 128>}, {transform_indices = @transform_1, window_bounds = array<i64: 2048, 128>}, {transform_indices = @transform_2, window_bounds = array<i64: 2048, 40>}, {transform_indices = @transform_3, window_bounds = array<i64: 2048, 1>}, {pipeline_mode = #tpu.pipeline_mode<synchronous>, transform_indices = @transform_4, window_bounds = array<i64: 1, 64>}, {pipeline_mode = #tpu.pipeline_mode<synchronous>, transform_indices = @transform_5, window_bounds = array<i64: 64, 40>}, {transform_indices = @transform_6, window_bounds = array<i64: 2048, 128>}]} {
    %get3A = arith.constant 0 : index
    %get3A_0 = arith.constant 0 : index
    %get3A_1 = vector.load %arg4[%get3A, %get3A_0] : memref<2048x1xf32, #tpu.memory_space<vmem>>, vector<2048x1xf32>
    %get3A_2 = arith.constant 0 : index
    %get3A_3 = arith.constant 0 : index
    %get3A_4 = vector.load %arg1[%get3A_2, %get3A_3] : memref<2048x128xf32, #tpu.memory_space<vmem>>, vector<2048x128xf32>
    %slice3A = vector.extract_strided_slice %get3A_4 {offsets = [0, 0], sizes = [2048, 64], strides = [1, 1]} : vector<2048x128xf32> to vector<2048x64xf32>
    %slice3A_5 = vector.extract_strided_slice %get3A_4 {offsets = [0, 64], sizes = [2048, 64], strides = [1, 1]} : vector<2048x128xf32> to vector<2048x64xf32>
    %add3A = arith.addf %slice3A, %slice3A_5 : vector<2048x64xf32>
    %get3A_6 = arith.constant 0 : index
    %get3A_7 = arith.constant 0 : index
    %get3A_8 = vector.load %arg2[%get3A_6, %get3A_7] : memref<2048x128xf32, #tpu.memory_space<vmem>>, vector<2048x128xf32>
    %slice3A_9 = vector.extract_strided_slice %get3A_8 {offsets = [0, 0], sizes = [2048, 64], strides = [1, 1]} : vector<2048x128xf32> to vector<2048x64xf32>
    %add3A_10 = arith.addf %add3A, %slice3A_9 : vector<2048x64xf32>
    %mul3A = vector.broadcast %get3A_1 : vector<2048x1xf32> to vector<2048x64xf32>
    %mul3A_11 = arith.mulf %mul3A, %add3A_10 : vector<2048x64xf32>
    %get3A_12 = arith.constant 0 : index
    %get3A_13 = arith.constant 0 : index
    %get3A_14 = vector.load %arg5[%get3A_12, %get3A_13] : memref<1x64xf32, #tpu.memory_space<vmem>>, vector<1x64xf32>
    %add3A_15 = vector.broadcast %get3A_14 : vector<1x64xf32> to vector<2048x64xf32>
    %add3A_16 = arith.addf %mul3A_11, %add3A_15 : vector<2048x64xf32>
    %max3A = arith.constant 0.000000e+00 : f32
    %max3A_17 = vector.broadcast %max3A : f32 to vector<2048x64xf32>
    %max3A_18 = arith.maximumf %add3A_16, %max3A_17 : vector<2048x64xf32>
    %get3A_19 = arith.constant 0 : index
    %get3A_20 = arith.constant 0 : index
    %get3A_21 = vector.load %arg3[%get3A_19, %get3A_20] : memref<2048x40xf32, #tpu.memory_space<vmem>>, vector<2048x40xf32>
    %get3A_22 = arith.constant 0 : index
    %get3A_23 = arith.constant 0 : index
    %get3A_24 = vector.load %arg6[%get3A_22, %get3A_23] : memref<64x40xf32, #tpu.memory_space<vmem>>, vector<64x40xf32>
    %dot_general3A = arith.constant dense<0.000000e+00> : vector<2048x40xf32>
    %dot_general3A_25 = tpu.matmul %max3A_18, %get3A_24, %dot_general3A {dimension_numbers = #tpu.dot_dimension_numbers<[1], [0], [0], [1], [0, 0, 1, 1], [], []>, transpose_lhs_hint = false} : vector<2048x64xf32>, vector<64x40xf32>, vector<2048x40xf32> -> vector<2048x40xf32>
    %add3A_26 = arith.addf %get3A_21, %dot_general3A_25 : vector<2048x40xf32>
    %mul3A_27 = vector.broadcast %get3A_1 : vector<2048x1xf32> to vector<2048x40xf32>
    %mul3A_28 = arith.mulf %add3A_26, %mul3A_27 : vector<2048x40xf32>
    %broadcast_in_dim3A = arith.constant 0.000000e+00 : f32
    %broadcast_in_dim3A_29 = vector.broadcast %broadcast_in_dim3A : f32 to vector<2048x88xf32>
    %concatenate3A = tpu.concatenate %mul3A_28, %broadcast_in_dim3A_29 in 1 : vector<2048x40xf32>, vector<2048x88xf32> -> vector<2048x128xf32>
    %swap3A = arith.constant 0 : index
    %swap3A_30 = arith.constant 0 : index
    %swap3A_31 = vector.load %arg7[%swap3A, %swap3A_30] : memref<2048x128xf32, #tpu.memory_space<vmem>>, vector<2048x128xf32>
    tpu.vector_store %arg7[%swap3A, %swap3A_30], %concatenate3A {strides = array<i32>} : memref<2048x128xf32, #tpu.memory_space<vmem>>, vector<2048x128xf32>,
    return
  }
  func.func @transform_0(%arg0: i32) -> (i32, i32) {
    %c0_i32 = arith.constant 0 : i32
    %c0_i32_0 = arith.constant 0 : i32
    return %arg0, %c0_i32 : i32, i32
  }
  func.func @transform_1(%arg0: i32) -> (i32, i32) {
    %c0_i32 = arith.constant 0 : i32
    %c0_i32_0 = arith.constant 0 : i32
    return %arg0, %c0_i32 : i32, i32
  }
  func.func @transform_2(%arg0: i32) -> (i32, i32) {
    %c0_i32 = arith.constant 0 : i32
    %c0_i32_0 = arith.constant 0 : i32
    return %arg0, %c0_i32 : i32, i32
  }
  func.func @transform_3(%arg0: i32) -> (i32, i32) {
    %c0_i32 = arith.constant 0 : i32
    %c0_i32_0 = arith.constant 0 : i32
    return %arg0, %c0_i32 : i32, i32
  }
  func.func @transform_4(%arg0: i32) -> (i32, i32) {
    %c0_i32 = arith.constant 0 : i32
    %c0_i32_0 = arith.constant 0 : i32
    %c0_i32_1 = arith.constant 0 : i32
    return %c0_i32, %c0_i32_0 : i32, i32
  }
  func.func @transform_5(%arg0: i32) -> (i32, i32) {
    %c0_i32 = arith.constant 0 : i32
    %c0_i32_0 = arith.constant 0 : i32
    %c0_i32_1 = arith.constant 0 : i32
    return %c0_i32, %c0_i32_0 : i32, i32
  }
  func.func @transform_6(%arg0: i32) -> (i32, i32) {
    %c0_i32 = arith.constant 0 : i32
    %c0_i32_0 = arith.constant 0 : i32
    return %arg0, %c0_i32 : i32, i32
  }
}

module attributes {stable_mosaic.version = 14 : i64} {
  func.func @_tc_post_body(%arg0: i32, %arg1: memref<2000x128xf32, #tpu.memory_space<vmem>>, %arg2: memref<2000x128xf32, #tpu.memory_space<vmem>>, %arg3: memref<2000x1xf32, #tpu.memory_space<vmem>>, %arg4: memref<1x40xf32, #tpu.memory_space<vmem>>, %arg5: memref<2000x40xf32, #tpu.memory_space<vmem>>, %arg6: memref<2000x40xf32, #tpu.memory_space<vmem>>) attributes {dimension_semantics = [#tpu.dimension_semantics<arbitrary>], iteration_bounds = array<i64: 5>, scalar_prefetch = 0 : i64, scratch_operands = 0 : i64, tpu.core_type = #tpu.core_type<tc>, window_params = [{transform_indices = @transform_0, window_bounds = array<i64: 2000, 128>}, {transform_indices = @transform_1, window_bounds = array<i64: 2000, 128>}, {transform_indices = @transform_2, window_bounds = array<i64: 2000, 1>}, {pipeline_mode = #tpu.pipeline_mode<synchronous>, transform_indices = @transform_3, window_bounds = array<i64: 1, 40>}, {transform_indices = @transform_4, window_bounds = array<i64: 2000, 40>}, {transform_indices = @transform_5, window_bounds = array<i64: 2000, 40>}]} {
    %get3A = arith.constant 0 : index
    %get3A_0 = arith.constant 0 : index
    %get3A_1 = vector.load %arg1[%get3A, %get3A_0] : memref<2000x128xf32, #tpu.memory_space<vmem>>, vector<2000x128xf32>
    %get3A_2 = arith.constant 0 : index
    %get3A_3 = arith.constant 0 : index
    %get3A_4 = vector.load %arg2[%get3A_2, %get3A_3] : memref<2000x128xf32, #tpu.memory_space<vmem>>, vector<2000x128xf32>
    %get3A_5 = arith.constant 0 : index
    %get3A_6 = arith.constant 0 : index
    %get3A_7 = vector.load %arg3[%get3A_5, %get3A_6] : memref<2000x1xf32, #tpu.memory_space<vmem>>, vector<2000x1xf32>
    %slice3A = vector.extract_strided_slice %get3A_1 {offsets = [0, 0], sizes = [2000, 40], strides = [1, 1]} : vector<2000x128xf32> to vector<2000x40xf32>
    %slice3A_8 = vector.extract_strided_slice %get3A_1 {offsets = [0, 64], sizes = [2000, 40], strides = [1, 1]} : vector<2000x128xf32> to vector<2000x40xf32>
    %add3A = arith.addf %slice3A, %slice3A_8 : vector<2000x40xf32>
    %slice3A_9 = vector.extract_strided_slice %get3A_4 {offsets = [0, 0], sizes = [2000, 40], strides = [1, 1]} : vector<2000x128xf32> to vector<2000x40xf32>
    %add3A_10 = arith.addf %add3A, %slice3A_9 : vector<2000x40xf32>
    %mul3A = vector.broadcast %get3A_7 : vector<2000x1xf32> to vector<2000x40xf32>
    %mul3A_11 = arith.mulf %mul3A, %add3A_10 : vector<2000x40xf32>
    %get3A_12 = arith.constant 0 : index
    %get3A_13 = arith.constant 0 : index
    %get3A_14 = vector.load %arg4[%get3A_12, %get3A_13] : memref<1x40xf32, #tpu.memory_space<vmem>>, vector<1x40xf32>
    %add3A_15 = vector.broadcast %get3A_14 : vector<1x40xf32> to vector<2000x40xf32>
    %add3A_16 = arith.addf %mul3A_11, %add3A_15 : vector<2000x40xf32>
    %reduce_max3A = arith.constant dense<0xFF800000> : vector<2000xf32>
    %reduce_max3A_17 = vector.multi_reduction <maximumf>, %add3A_16, %reduce_max3A [1] : vector<2000x40xf32> to vector<2000xf32>
    %broadcast_in_dim3A = vector.shape_cast %reduce_max3A_17 : vector<2000xf32> to vector<2000x1xf32>
    %sub3A = vector.broadcast %broadcast_in_dim3A : vector<2000x1xf32> to vector<2000x40xf32>
    %sub3A_18 = arith.subf %add3A_16, %sub3A : vector<2000x40xf32>
    %exp3A = math.exp %sub3A_18 : vector<2000x40xf32>
    %reduce_sum3A = arith.constant dense<0.000000e+00> : vector<2000xf32>
    %reduce_sum3A_19 = vector.multi_reduction <add>, %exp3A, %reduce_sum3A [1] : vector<2000x40xf32> to vector<2000xf32>
    %broadcast_in_dim3A_20 = vector.shape_cast %reduce_sum3A_19 : vector<2000xf32> to vector<2000x1xf32>
    %log3A = math.log %broadcast_in_dim3A_20 : vector<2000x1xf32>
    %add3A_21 = arith.addf %log3A, %broadcast_in_dim3A : vector<2000x1xf32>
    %swap3A = arith.constant 0 : index
    %swap3A_22 = arith.constant 0 : index
    %swap3A_23 = vector.load %arg6[%swap3A, %swap3A_22] : memref<2000x40xf32, #tpu.memory_space<vmem>>, vector<2000x40xf32>
    tpu.vector_store %arg6[%swap3A, %swap3A_22], %add3A_16 {strides = array<i32>} : memref<2000x40xf32, #tpu.memory_space<vmem>>, vector<2000x40xf32>,
    %sub3A_24 = vector.broadcast %add3A_21 : vector<2000x1xf32> to vector<2000x40xf32>
    %sub3A_25 = arith.subf %add3A_16, %sub3A_24 : vector<2000x40xf32>
    %swap3A_26 = arith.constant 0 : index
    %swap3A_27 = arith.constant 0 : index
    %swap3A_28 = vector.load %arg5[%swap3A_26, %swap3A_27] : memref<2000x40xf32, #tpu.memory_space<vmem>>, vector<2000x40xf32>
    tpu.vector_store %arg5[%swap3A_26, %swap3A_27], %sub3A_25 {strides = array<i32>} : memref<2000x40xf32, #tpu.memory_space<vmem>>, vector<2000x40xf32>,
    return
  }
  func.func @transform_0(%arg0: i32) -> (i32, i32) {
    %c0_i32 = arith.constant 0 : i32
    %c0_i32_0 = arith.constant 0 : i32
    return %arg0, %c0_i32 : i32, i32
  }
  func.func @transform_1(%arg0: i32) -> (i32, i32) {
    %c0_i32 = arith.constant 0 : i32
    %c0_i32_0 = arith.constant 0 : i32
    return %arg0, %c0_i32 : i32, i32
  }
  func.func @transform_2(%arg0: i32) -> (i32, i32) {
    %c0_i32 = arith.constant 0 : i32
    %c0_i32_0 = arith.constant 0 : i32
    return %arg0, %c0_i32 : i32, i32
  }
  func.func @transform_3(%arg0: i32) -> (i32, i32) {
    %c0_i32 = arith.constant 0 : i32
    %c0_i32_0 = arith.constant 0 : i32
    %c0_i32_1 = arith.constant 0 : i32
    return %c0_i32, %c0_i32_0 : i32, i32
  }
  func.func @transform_4(%arg0: i32) -> (i32, i32) {
    %c0_i32 = arith.constant 0 : i32
    %c0_i32_0 = arith.constant 0 : i32
    return %arg0, %c0_i32 : i32, i32
  }
  func.func @transform_5(%arg0: i32) -> (i32, i32) {
    %c0_i32 = arith.constant 0 : i32
    %c0_i32_0 = arith.constant 0 : i32
    return %arg0, %c0_i32 : i32, i32
  }
}

</mosaic_0001>

<sc_bundles>
// kernel: kernel.12.cloned.1.call-start
scs
__scs_entry_jumppad:
0x0: {  	(pc) =	sbr.rel $0x88, $3  }
0x1: {  	(tag) =	ssettag $0x0;
	lr =	simm.s32 $0x1  }
0x2: {  	[smem:$0x3F93] =	sst lr;
	_ =	strace $0xD0000000  }
0x3: {  	_ = 	snop  }
0x4: {  	_ = 	snop  }
0x5: {  	_ = 	snop  }
0x6: {  	_ = 	snop  }
0x7: {  	_ = 	snop  }
__scs_overlays_trampoline_lowered:
0x8: {  	[smem:$0x3FA2] =	sst s0  }
0x9: {  	[smem:$0x3FA3] =	sst s1  }
0xa: {  	[smem:$0x3FA4] =	sst s2  }
0xb: {  	[smem:$0x3FA5] =	sst s3  }
0xc: {  	[smem:$0x3FA6] =	sst s4  }
0xd: {  	[smem:$0x3FA7] =	sst s5  }
0xe: {  	[smem:$0x3FA8] =	sst s6  }
0xf: {  	[smem:$0x3FA9] =	sst s7  }
0x10: {  	[smem:$0x3FAA] =	sst s8  }
0x11: {  	[smem:$0x3FAB] =	sst s9;
	s0 =	simm.s32 @!p0 $0x0  }
0x12: {  	s1 =	sld [smem:$0x3F91];
	s0 =	simm.s32 @p0 $0x1  }
0x13: {  	[smem:$0x3FAC] =	sst s0;
	s0 =	simm.s32 @!p1 $0x0  }
0x14: {  	s2 =	sld [smem:$0x3F90];
	s0 =	simm.s32 @p1 $0x1  }
0x15: {  	[smem:$0x3FAD] =	sst s0;
	s0 =	simm.s32 @!p2 $0x0  }
0x16: {  	s3 =	sld [smem:$0x3FDB];
	s0 =	simm.s32 @p2 $0x1  }
0x17: {  	s4 =	simm.s32 $0x1BF5;
	[smem:$0x3FAF] =	sst s0  }
0x18: {  	s0 =	sld [smem:$0x3F92];
	_ =	swait.ge [sflag:s4], $0x0  }
0x19: {  	s7 =	sld [smem:$0x3F93]  }
0x1a: {  	s8 =	sadd.s32 $0xFFFFE003, lr  }
0x1b: {  	s9 =	sadd.s32 $0xFFFFFEF7, lr;
	s5 =	simm.s32 $0xFFFFFFFF;
	p2 =	slt.u32 s8, $0xFFFFF086  }
0x1c: {  	p1 =	slt.u32 s9, $0xF7A;
	s5 =	simm.s32 @!p2 $0x0  }
0x1d: {  	s5 =	simm.s32 @p1 $0x1;
	p0 =	seq.s32 s7, s2  }
0x1e: {  	s7 =	smul.u32 @!p0 $0xF7A, s2;
	p2 =	seq.s32 @!p0 s5, $0x0  }
0x1f: {  	s9 =	smul.u32 $0xF7A, s1;
	s8 =	simm.s32 @!p0 $0x1BF5;
	p2 =	por !p2, p0  }
0x20: {  	[sflag:s8] =	ssyncset.s32 @!p0 $0xFFFFF086;
	s6 =	sadd.s32 @!p0 s3, s7;
	s7 =	simm.s32 @!p0 $0x108  }
0x21: {  	s3 =	sadd.s32 s3, s9;
	s6 =	sadd.s32 @!p0 $0x88, s6;
	s7 =	simm.s32 @p2 $0x1082  }
0x22: {  	[simem:s7], [sflag:s8] =	dma.local @!p0 [hbm:s6], $0xF7A  }
0x23: {  	s9 =	sor.u32 $0xD0000000, s2;
	s6 =	simm.s32 $0x108;
	_ =	swait.ge @!p0 [sflag:s8], $0x0  }
0x24: {  	s3 =	sadd.s32 $0x88, s3;
	s6 =	simm.s32 @!p1 $0x1082;
	[sflag:s4] =	ssyncset.s32 $0xFFFFF086  }
0x25: {  	[simem:s6], [sflag:s4] =	dma.local [hbm:s3], $0xF7A  }
0x26: {  	[smem:$0x3F93] =	sst s1;
	(tag) =	ssettag s2;
	_ =	strace s9  }
0x27: {  	s1 =	sld [smem:$0x3FA3]  }
0x28: {  	s2 =	sld [smem:$0x3FA4]  }
0x29: {  	s4 =	sld [smem:$0x3FA6]  }
0x2a: {  	p0 =	seq.s32 s5, $0x0;
	s5 =	sld [smem:$0x3FA7]  }
0x2b: {  	s6 =	sld [smem:$0x3FA8]  }
0x2c: {  	s7 =	sld [smem:$0x3FA9]  }
0x2d: {  	s3 =	simm.s32 $0x108;
	s8 =	sld [smem:$0x3FAA]  }
0x2e: {  	s3 =	simm.s32 @!p0 $0x1082;
	s9 =	sld [smem:$0x3FAB]  }
0x2f: {  	lr =	sadd.s32 s0, s3;
	s0 =	sld [smem:$0x3FA2]  }
0x30: {  	s3 =	sld [smem:$0x3FA5]  }
0x31: {  	[smem:$0x3FAE] =	sst s10  }
0x32: {  	s10 =	sld [smem:$0x3FAC];
	_ =	sdelay $0x3  }
0x33: {  	p0 =	seq.s32 s10, $0x1;
	s10 =	sld [smem:$0x3FAE];
	_ =	sdelay $0x3  }
0x34: {  	[smem:$0x3FAE] =	sst s10  }
0x35: {  	s10 =	sld [smem:$0x3FAD];
	_ =	sdelay $0x3  }
0x36: {  	p1 =	seq.s32 s10, $0x1;
	s10 =	sld [smem:$0x3FAE];
	_ =	sdelay $0x3  }
0x37: {  	[smem:$0x3FAE] =	sst s10  }
0x38: {  	s10 =	sld [smem:$0x3FAF]  }
0x39: {  	_ = 	snop;
	(pc) =	sbr.ind lr, $3  }
0x3a: {  	_ = 	snop  }
0x3b: {  	_ = 	snop  }
0x3c: {  	p2 =	seq.s32 s10, $0x1;
	s10 =	sld [smem:$0x3FAE]  }
0x3d: {  	_ =	shalt  }
0x3e: {  	_ =	shalt  }
0x3f: {  	_ =	shalt  }
0x40: {  	_ =	shalt  }
0x41: {  	_ =	shalt  }
0x42: {  	_ =	shalt  }
0x43: {  	_ =	shalt  }
0x44: {  	_ =	shalt  }
0x45: {  	_ =	shalt  }
0x46: {  	_ =	shalt  }
0x47: {  	_ =	shalt  }
0x48: {  	_ =	shalt  }
0x49: {  	_ =	shalt  }
0x4a: {  	_ =	shalt  }
0x4b: {  	_ =	shalt  }
0x4c: {  	_ =	shalt  }
0x4d: {  	_ =	shalt  }
0x4e: {  	_ =	shalt  }
0x4f: {  	_ =	shalt  }
0x50: {  	_ =	shalt  }
0x51: {  	_ =	shalt  }
0x52: {  	_ =	shalt  }
0x53: {  	_ =	shalt  }
0x54: {  	_ =	shalt  }
0x55: {  	_ =	shalt  }
0x56: {  	_ =	shalt  }
0x57: {  	_ =	shalt  }
0x58: {  	_ =	shalt  }
0x59: {  	_ =	shalt  }
0x5a: {  	_ =	shalt  }
0x5b: {  	_ =	shalt  }
0x5c: {  	_ =	shalt  }
0x5d: {  	_ =	shalt  }
0x5e: {  	_ =	shalt  }
0x5f: {  	_ =	shalt  }
0x60: {  	_ =	shalt  }
0x61: {  	_ =	shalt  }
0x62: {  	_ =	shalt  }
0x63: {  	_ =	shalt  }
0x64: {  	_ =	shalt  }
0x65: {  	_ =	shalt  }
0x66: {  	_ =	shalt  }
0x67: {  	_ =	shalt  }
0x68: {  	_ =	shalt  }
0x69: {  	_ =	shalt  }
0x6a: {  	_ =	shalt  }
0x6b: {  	_ =	shalt  }
0x6c: {  	_ =	shalt  }
0x6d: {  	_ =	shalt  }
0x6e: {  	_ =	shalt  }
0x6f: {  	_ =	shalt  }
0x70: {  	_ =	shalt  }
0x71: {  	_ =	shalt  }
0x72: {  	_ =	shalt  }
0x73: {  	_ =	shalt  }
0x74: {  	_ =	shalt  }
0x75: {  	_ =	shalt  }
0x76: {  	_ =	shalt  }
0x77: {  	_ =	shalt  }
0x78: {  	_ =	shalt  }
0x79: {  	_ =	shalt  }
0x7a: {  	_ =	shalt  }
0x7b: {  	_ =	shalt  }
0x7c: {  	_ =	shalt  }
0x7d: {  	_ =	shalt  }
0x7e: {  	_ =	shalt  }
0x7f: {  	_ =	shalt  }
0x80: {  	_ =	shalt  }
0x81: {  	_ =	shalt  }
0x82: {  	_ =	shalt  }
0x83: {  	_ =	shalt  }
0x84: {  	_ =	shalt  }
0x85: {  	_ =	shalt  }
0x86: {  	_ =	shalt  }
0x87: {  	_ =	shalt  }
.Lfunc_end0:
.L_simem_size_0:
called_computation_lowered:
.L_overlay_start_0:
0x88: {  	s2 =	sld [smem:$0x3FD9]  }
0x89: {  	s3 =	sld [smem:$0x3FFE];
	_ =	sdelay $0x1  }
0x8a: {  	s1 =	srdreg.scid  }
0x8b: {  	s0 =	sand.u32 $0x1, s1  }
0x8c: {  	s14 =	sshll.u32 s0, $0xA;
	s2 =	sadd.s32 s3, s2  }
0x8d: {  	s2 =	sadd.s32 s2, s14  }
0x8e: {  	[smem:$0x3FBA] =	sst s2  }
0x8f: {  	_ = 	snop  }
0x90: {  	s2 =	sld [smem:$0x3FD0];
	_ =	sdelay $0x2  }
0x91: {  	s15 =	simm.s32 $0xA;
	s4 =	simm.s32 $0x10  }
0x92: {  	[smem:s4], [sflag:s15] =	dma.local [hbm:s2], $0x1  }
0x93: {  	_ =	swait.eq [sflag:s15], $0x1  }
0x94: {  	[sflag:s15] =	ssyncset.done $0x0  }
0x95: {  	[sflag:s15] =	ssyncadd.s32 $0xFFFFFFFF  }
0x96: {  	s16 =	sld [smem:$0x11];
	(tm) =	ssettm $0x1  }
0x97: {  	s17 =	sld [smem:$0x3FFB];
	_ =	sdelay $0x3  }
0x98: {  	_ =	strace s17  }
0x99: {  	s3 =	sld [smem:$0x3FFC];
	_ =	sdelay $0x3  }
0x9a: {  	_ =	strace s3  }
0x9b: {  	s3 =	sld [smem:$0x3FFD];
	_ =	sdelay $0x3  }
0x9c: {  	_ =	strace s3  }
0x9d: {  	_ =	strace $0x8FFFFFFF  }
0x9e: {  	s18 =	sld [smem:$0x3FDB];
	_ =	sdelay $0x1  }
0x9f: {  	s19 =	simm.s32 $_scs_section_size  }
0xa0: {  	s5 =	simm.s32 $_size__tile_overlayer_lowered;
	s6 =	simm.s32 $_tile_overlayer_lowered  }
0xa1: {  	s22 =	simm.s32 $0x1BFF;
	s21 =	sshll.u32 s6, $0x1;
	s3 =	sadd.s32 s19, s18  }
0xa2: {  	s7 =	simm.s32 $0x0;
	s20 =	sshll.u32 s5, $0x1;
	s5 =	sadd.s32 s21, s3  }
0xa3: {  	[timem:s7], [sflag:s22] =	dma.local [hbm:s5], s20  }
0xa4: {  	_ =	swait.ge [sflag:s22], s20  }
0xa5: {  	s4 =	ssub.s32 $0x0, s20;
	[sflag:s22] =	ssyncset.done $0x0  }
0xa6: {  	[sflag:s22] =	ssyncadd.s32 s4;
	_ =	sdelay $0x1  }
0xa7: {  	s23 =	simm.s32 $0x1B8B  }
0xa8: {  	_ =	swait.ge [sflag:s23], $0x1  }
0xa9: {  	[sflag:s23] =	ssyncset.done $0x0  }
0xaa: {  	s25 =	simm.s32 $0x1B8E;
	s24 =	sld [smem:$0x3FFE];
	[sflag:s23] =	ssyncadd.s32 $0xFFFFFFFF  }
0xab: {  	s26 =	simm.s32 $execute0_lowered;
	[smem:$0x3FD2] =	sst s25  }
0xac: {  	s5 =	sshll.u32 s26, $0x1;
	_ =	strace $0x80000046;
	[dreg:$0x1] =	wrdreg $0xFFFFFFFF  }
0xad: {  	s28 =	simm.s32 $_size_execute0_lowered;
	s3 =	sadd.s32 s3, s5;
	[dreg:$0x0] =	wrdreg $0x0  }
0xae: {  	s5 =	sshll.u32 s28, $0x1;
	[dreg:$0x2] =	wrdreg s3  }
0xaf: {  	[dreg:$0x3] =	wrdreg s5  }
0xb0: {  	[dreg:$0x4] =	wrdreg $0xC0  }
0xb1: {  	_ =	task [dreg:s7], $0x5FFFF  }
0xb2: {  	[dreg:$0x1] =	wrdreg $0xFFFFFFFF  }
0xb3: {  	[dreg:$0x0] =	wrdreg $0x60  }
0xb4: {  	[dreg:$0x2] =	wrdreg s16  }
0xb5: {  	[dreg:$0x3] =	wrdreg s24  }
0xb6: {  	[dreg:$0x4] =	wrdreg $0x28800  }
0xb7: {  	[dreg:$0x5] =	wrdreg $0x9  }
0xb8: {  	_ =	task.clear_ibuf [dreg:s7], $0x6FFFF;
	_ =	strace $0x90000046  }
0xb9: {  	s29 =	simm.s32 $0x9;
	_ =	strace $0x80000048  }
0xba: {  	_ =	swait.ge [sflag:s29], $0x1  }
0xbb: {  	[sflag:s29] =	ssyncadd.s32 $0xFFFFFFFF  }
0xbc: {  	_ =	strace $0x90000048  }
0xbd: {  	_ =	sfence  }
0xbe: {  	s30 =	sld [smem:$0x0];
	_ =	sdelay $0x2  }
0xbf: {  	s31 =	sshll.u32 s1, $0xD;
	s1 =	sshrl.u32 s1, $0x2  }
0xc0: {  	s3 =	sand.u32 $0x4000, s31;
	s1 =	sadd.s32 s1, s30  }
0xc1: {  	s0 =	sor.u32 s3, s0;
	s1 =	sshll.u32 s1, $0x11  }
0xc2: {  	s0 =	sor.u32 s1, s0  }
0xc3: {  	s0 =	sadd.s32 $0x8F2B, s0  }
0xc4: {  	[sflag:s0] =	ssyncadd.remote.s32 $0x1  }
0xc5: {  	_ =	sfence.sel $0xFFFF  }
0xc6: {  	[dreg:$0x0] =	wrdreg $0xFFFFFFFF;
	(pc) =	sbr.abs _section_cstart, $3  }
0xc7: {  	[dreg:$0x1] =	wrdreg $0xFFFFFFFF  }
0xc8: {  	_ =	task.clear_ibuf [dreg:s7], $0x2FFFF;
	_ =	strace $0x9FFFFFFF  }
0xc9: {  	(tm) =	ssettm $0x7FFFFFFF  }
tec
execute0_lowered:
.L_overlay_start_1:
0x0: {  	(tag) =	ssettag $0x1  }
0x1: {  	s4 =	rddreg [dreg:$0x0]  }
0x2: {  	s5 =	rddreg [dreg:$0x1]  }
0x3: {  	s1 =	rddreg [dreg:$0x2]  }
0x4: {  	s2 =	srdreg.scid;
	s11 =	stileid.u32  }
0x5: {  	s0 =	rddreg [dreg:$0x3];
	s3 =	sand.u32 $0x1, s2;
	s6 =	sshll.u32 s11, $0x1  }
0x6: {  	s2 =	simm.s32 $0x0;
	s10 =	smul.u32 $0x280, s11;
	p0 =	sne.s32 s11, $0x0  }
0x7: {  	s11 =	sshll.u32 s11, $0x6;
	s7 =	smul.u32 $0x500, s3;
	s6 =	sor.u32 s3, s6  }
0x8: {  	[smem:$0x7FF] =	sst s2;
	s8 =	ssub.s32 $0x2, s3;
	s3 =	sadd.s32 $0x6400, s5  }
0x9: {  	s11 =	sor.u32 $0x1C01, s11;
	s6 =	smul.u32 $0x500, s6;
	_ =	strace $0x80000047  }
0xa: {  	s9 =	sshrl.u32 s8, $0x1;
	s13 =	sshrl.u32 s10, $0x3;
	s14 =	sadd.s32 s10, s1  }
0xb: {  	s5 =	sadd.s32 s7, s5;
	s31 =	ssub.s32 s8, s9;
	s7 =	sshrl.u32 @!p0 s1, $0x3  }
0xc: {  	s8 =	simm.s32 $0x80;
	s9 =	simm.s32 $0x2800;
	s4 =	sadd.s32 s4, s6  }
0xd: {  	s12 =	sadd.s32 $0x6A00, s5;
	s5 =	smax.u32 s31, $0x1;
	s6 =	simm.s32 $0x1  }
0xe: {  	v0 =	vimm.f32 $1.000000000e+00;
	s10 =	sadd.s32 s13, s12;
	s12 =	sshrl.u32 s14, $0x3;
	s13 =	simm.s32 $0x0  }
.LBB2_1:
0xf: {  	[tilespmem:s2], [sflag:$0x1] =	stream.linear.gather [hbm4b:s4+s2], $0x2800, $0x38;
	[tilespmem:$0x2B00] =	vst v63  }
0x10: {  	_ =	swait.ge [sflag:s6], $0x2800  }
0x11: {  	[sflag:s6] =	ssyncset.done $0x0  }
0x12: {  	[sflag:s6] =	ssyncadd.s32 $0xFFFFD800  }
0x13: {  	[tilespmem:$0x2800] =	vst v0  }
0x14: {  	[tilespmem:$0x2810] =	vst v0  }
0x15: {  	[tilespmem:$0x2820] =	vst v0  }
0x16: {  	[tilespmem:$0x2830] =	vst v0  }
0x17: {  	[tilespmem:$0x2840] =	vst v0  }
0x18: {  	[tilespmem:$0x2850] =	vst v0  }
0x19: {  	[tilespmem:$0x2860] =	vst v0  }
0x1a: {  	s14 =	simm.s32 @!p0 $0x1C01;
	[tilespmem:$0x2870] =	vst v0  }
0x1b: {  	[spmem:s7], [sflag:s14] =	dma.local @!p0 [hbm:s3], $0x500  }
0x1c: {  	s14 =	simm.s32 @!p0 $0x1  }
0x1d: {  	_ =	swait.ge @!p0 [sflag:s14], $0x500  }
0x1e: {  	[sflag:s14] =	ssyncset.done @!p0 $0x0  }
0x1f: {  	[sflag:s14] =	ssyncadd.s32 @!p0 $0xFFFFFB00  }
0x20: {  	s31 =	simm.s32 $0x0;
	[bflag:$0x0] =	sbarrier.arrive $0xFFFF  }
0x21: {  	[spmem:s1] =	stream.indirect.scatter.add.f32 [tilespmem:s9], [sflag:$0x1], $0x1, s31, s8, $0xb8;
	[tilespmem:$0x2B00] =	vst v63  }
0x22: {  	_ =	swait.ge [sflag:s6], $0x80  }
0x23: {  	s14 =	simm.s32 $0x200;
	[sflag:s6] =	ssyncset.done $0x0  }
.LBB2_2:
0x24: {  	s15 =	sshra.s32 s14, $0x2;
	[sflag:s6] =	ssyncadd.s32 $0xFFFFFF80;
	p1 =	sne.s32 s14, $0x9E00  }
0x25: {  	[spmem:s1] =	stream.indirect.scatter.add.f32 [tilespmem:s9], [sflag:$0x1], $0x1, s15, s8, $0xb8;
	[tilespmem:$0x2B00] =	vst v63  }
.Ltmp0:
0x26: {  	_ = 	snop;
	(pc) =	sbr.rel @p1 .LBB2_2-.Ltmp0, $4  }
0x27: {  	_ = 	snop  }
0x28: {  	s14 =	sadd.s32 $0x200, s14  }
0x29: {  	_ =	swait.ge [sflag:s6], $0x80  }
0x2a: {  	[sflag:s6] =	ssyncset.done $0x0  }
0x2b: {  	s13 =	sadd.s32 $0x1, s13  }
0x2c: {  	[sflag:s6] =	ssyncadd.s32 $0xFFFFFF80;
	p1 =	sne.s32 s13, s5  }
.Ltmp1:
0x2d: {  	[bflag:$0x0] =	sbarrier.arrive $0xFFFF;
	(pc) =	sbr.rel @p1 .LBB2_1-.Ltmp1, $4  }
0x2e: {  	[hbm:s10], [sflag:s11] =	dma.local [spmem:s12], $0x50  }
0x2f: {  	_ =	swait.ge [sflag:s6], $0x50  }
0x30: {  	[sflag:s6] =	ssyncset.done $0x0  }
0x31: {  	[sflag:s6] =	ssyncadd.s32 $0xFFFFFFB0  }
0x32: {  	_ =	sfence.sel $0x180000  }
0x33: {  	[bflag:$0x0] =	sbarrier.arrive $0xFFFF  }
0x34: {  	_ =	strace $0x90000047  }
0x35: {  	s0 =	sadd.s32 @!p0 $0x100000, s0;
	[bflag:$0x2] =	sbarrier.arrive $0xFFFF  }
0x36: {  	[sflag:s0] =	ssyncadd.tile.s32 @!p0 $0x1;
	_ =	shalt  }
.Lfunc_end2:
_tile_overlayer_lowered:
.L_overlay_start_2:
0x37: {  	(tag) =	ssettag $0x2  }
0x38: {  	s0 =	rddreg [dreg:$0x0];
	s2 =	stileid.u32  }
0x39: {  	s1 =	rddreg [dreg:$0x1];
	p0 =	sne.s32 s2, $0x0  }
0x3a: {  	s3 =	rddreg [dreg:$0x2];
	[bflag:$0x3] =	sbarrier.arrive $0xFFFF;
	s2 =	simm.s32 @!p0 $0x1C01  }
0x3b: {  	[timem:s3], [sflag:s2] =	dma.local @!p0 [hbm:s0], s1  }
0x3c: {  	s0 =	simm.s32 @!p0 $0x1  }
0x3d: {  	_ =	swait.ge @!p0 [sflag:s0], s1  }
0x3e: {  	s1 =	ssub.s32 @!p0 $0x0, s1;
	[sflag:s0] =	ssyncset.done @!p0 $0x0  }
0x3f: {  	[sflag:s0] =	ssyncadd.s32 @!p0 s1  }
0x40: {  	[bflag:$0x3] =	sbarrier.arrive $0xFFFF  }
0x41: {  	_ =	shalt  }

// kernel: kernel.15.cloned.1.call-start
scs
__scs_entry_jumppad:
0x0: {  	(pc) =	sbr.rel $0x88, $3  }
0x1: {  	(tag) =	ssettag $0x0;
	lr =	simm.s32 $0x1  }
0x2: {  	[smem:$0x3F93] =	sst lr;
	_ =	strace $0xD0000000  }
0x3: {  	_ = 	snop  }
0x4: {  	_ = 	snop  }
0x5: {  	_ = 	snop  }
0x6: {  	_ = 	snop  }
0x7: {  	_ = 	snop  }
__scs_overlays_trampoline_lowered:
0x8: {  	[smem:$0x3FA2] =	sst s0  }
0x9: {  	[smem:$0x3FA3] =	sst s1  }
0xa: {  	[smem:$0x3FA4] =	sst s2  }
0xb: {  	[smem:$0x3FA5] =	sst s3  }
0xc: {  	[smem:$0x3FA6] =	sst s4  }
0xd: {  	[smem:$0x3FA7] =	sst s5  }
0xe: {  	[smem:$0x3FA8] =	sst s6  }
0xf: {  	[smem:$0x3FA9] =	sst s7  }
0x10: {  	[smem:$0x3FAA] =	sst s8  }
0x11: {  	[smem:$0x3FAB] =	sst s9;
	s0 =	simm.s32 @!p0 $0x0  }
0x12: {  	s1 =	sld [smem:$0x3F91];
	s0 =	simm.s32 @p0 $0x1  }
0x13: {  	[smem:$0x3FAC] =	sst s0;
	s0 =	simm.s32 @!p1 $0x0  }
0x14: {  	s2 =	sld [smem:$0x3F90];
	s0 =	simm.s32 @p1 $0x1  }
0x15: {  	[smem:$0x3FAD] =	sst s0;
	s0 =	simm.s32 @!p2 $0x0  }
0x16: {  	s3 =	sld [smem:$0x3FDB];
	s0 =	simm.s32 @p2 $0x1  }
0x17: {  	s4 =	simm.s32 $0x1BF5;
	[smem:$0x3FAF] =	sst s0  }
0x18: {  	s0 =	sld [smem:$0x3F92];
	_ =	swait.ge [sflag:s4], $0x0  }
0x19: {  	s7 =	sld [smem:$0x3F93]  }
0x1a: {  	s8 =	sadd.s32 $0xFFFFE003, lr  }
0x1b: {  	s9 =	sadd.s32 $0xFFFFFEF7, lr;
	s5 =	simm.s32 $0xFFFFFFFF;
	p2 =	slt.u32 s8, $0xFFFFF086  }
0x1c: {  	p1 =	slt.u32 s9, $0xF7A;
	s5 =	simm.s32 @!p2 $0x0  }
0x1d: {  	s5 =	simm.s32 @p1 $0x1;
	p0 =	seq.s32 s7, s2  }
0x1e: {  	s7 =	smul.u32 @!p0 $0xF7A, s2;
	p2 =	seq.s32 @!p0 s5, $0x0  }
0x1f: {  	s9 =	smul.u32 $0xF7A, s1;
	s8 =	simm.s32 @!p0 $0x1BF5;
	p2 =	por !p2, p0  }
0x20: {  	[sflag:s8] =	ssyncset.s32 @!p0 $0xFFFFF086;
	s6 =	sadd.s32 @!p0 s3, s7;
	s7 =	simm.s32 @!p0 $0x108  }
0x21: {  	s3 =	sadd.s32 s3, s9;
	s6 =	sadd.s32 @!p0 $0x88, s6;
	s7 =	simm.s32 @p2 $0x1082  }
0x22: {  	[simem:s7], [sflag:s8] =	dma.local @!p0 [hbm:s6], $0xF7A  }
0x23: {  	s9 =	sor.u32 $0xD0000000, s2;
	s6 =	simm.s32 $0x108;
	_ =	swait.ge @!p0 [sflag:s8], $0x0  }
0x24: {  	s3 =	sadd.s32 $0x88, s3;
	s6 =	simm.s32 @!p1 $0x1082;
	[sflag:s4] =	ssyncset.s32 $0xFFFFF086  }
0x25: {  	[simem:s6], [sflag:s4] =	dma.local [hbm:s3], $0xF7A  }
0x26: {  	[smem:$0x3F93] =	sst s1;
	(tag) =	ssettag s2;
	_ =	strace s9  }
0x27: {  	s1 =	sld [smem:$0x3FA3]  }
0x28: {  	s2 =	sld [smem:$0x3FA4]  }
0x29: {  	s4 =	sld [smem:$0x3FA6]  }
0x2a: {  	p0 =	seq.s32 s5, $0x0;
	s5 =	sld [smem:$0x3FA7]  }
0x2b: {  	s6 =	sld [smem:$0x3FA8]  }
0x2c: {  	s7 =	sld [smem:$0x3FA9]  }
0x2d: {  	s3 =	simm.s32 $0x108;
	s8 =	sld [smem:$0x3FAA]  }
0x2e: {  	s3 =	simm.s32 @!p0 $0x1082;
	s9 =	sld [smem:$0x3FAB]  }
0x2f: {  	lr =	sadd.s32 s0, s3;
	s0 =	sld [smem:$0x3FA2]  }
0x30: {  	s3 =	sld [smem:$0x3FA5]  }
0x31: {  	[smem:$0x3FAE] =	sst s10  }
0x32: {  	s10 =	sld [smem:$0x3FAC];
	_ =	sdelay $0x3  }
0x33: {  	p0 =	seq.s32 s10, $0x1;
	s10 =	sld [smem:$0x3FAE];
	_ =	sdelay $0x3  }
0x34: {  	[smem:$0x3FAE] =	sst s10  }
0x35: {  	s10 =	sld [smem:$0x3FAD];
	_ =	sdelay $0x3  }
0x36: {  	p1 =	seq.s32 s10, $0x1;
	s10 =	sld [smem:$0x3FAE];
	_ =	sdelay $0x3  }
0x37: {  	[smem:$0x3FAE] =	sst s10  }
0x38: {  	s10 =	sld [smem:$0x3FAF]  }
0x39: {  	_ = 	snop;
	(pc) =	sbr.ind lr, $3  }
0x3a: {  	_ = 	snop  }
0x3b: {  	_ = 	snop  }
0x3c: {  	p2 =	seq.s32 s10, $0x1;
	s10 =	sld [smem:$0x3FAE]  }
0x3d: {  	_ =	shalt  }
0x3e: {  	_ =	shalt  }
0x3f: {  	_ =	shalt  }
0x40: {  	_ =	shalt  }
0x41: {  	_ =	shalt  }
0x42: {  	_ =	shalt  }
0x43: {  	_ =	shalt  }
0x44: {  	_ =	shalt  }
0x45: {  	_ =	shalt  }
0x46: {  	_ =	shalt  }
0x47: {  	_ =	shalt  }
0x48: {  	_ =	shalt  }
0x49: {  	_ =	shalt  }
0x4a: {  	_ =	shalt  }
0x4b: {  	_ =	shalt  }
0x4c: {  	_ =	shalt  }
0x4d: {  	_ =	shalt  }
0x4e: {  	_ =	shalt  }
0x4f: {  	_ =	shalt  }
0x50: {  	_ =	shalt  }
0x51: {  	_ =	shalt  }
0x52: {  	_ =	shalt  }
0x53: {  	_ =	shalt  }
0x54: {  	_ =	shalt  }
0x55: {  	_ =	shalt  }
0x56: {  	_ =	shalt  }
0x57: {  	_ =	shalt  }
0x58: {  	_ =	shalt  }
0x59: {  	_ =	shalt  }
0x5a: {  	_ =	shalt  }
0x5b: {  	_ =	shalt  }
0x5c: {  	_ =	shalt  }
0x5d: {  	_ =	shalt  }
0x5e: {  	_ =	shalt  }
0x5f: {  	_ =	shalt  }
0x60: {  	_ =	shalt  }
0x61: {  	_ =	shalt  }
0x62: {  	_ =	shalt  }
0x63: {  	_ =	shalt  }
0x64: {  	_ =	shalt  }
0x65: {  	_ =	shalt  }
0x66: {  	_ =	shalt  }
0x67: {  	_ =	shalt  }
0x68: {  	_ =	shalt  }
0x69: {  	_ =	shalt  }
0x6a: {  	_ =	shalt  }
0x6b: {  	_ =	shalt  }
0x6c: {  	_ =	shalt  }
0x6d: {  	_ =	shalt  }
0x6e: {  	_ =	shalt  }
0x6f: {  	_ =	shalt  }
0x70: {  	_ =	shalt  }
0x71: {  	_ =	shalt  }
0x72: {  	_ =	shalt  }
0x73: {  	_ =	shalt  }
0x74: {  	_ =	shalt  }
0x75: {  	_ =	shalt  }
0x76: {  	_ =	shalt  }
0x77: {  	_ =	shalt  }
0x78: {  	_ =	shalt  }
0x79: {  	_ =	shalt  }
0x7a: {  	_ =	shalt  }
0x7b: {  	_ =	shalt  }
0x7c: {  	_ =	shalt  }
0x7d: {  	_ =	shalt  }
0x7e: {  	_ =	shalt  }
0x7f: {  	_ =	shalt  }
0x80: {  	_ =	shalt  }
0x81: {  	_ =	shalt  }
0x82: {  	_ =	shalt  }
0x83: {  	_ =	shalt  }
0x84: {  	_ =	shalt  }
0x85: {  	_ =	shalt  }
0x86: {  	_ =	shalt  }
0x87: {  	_ =	shalt  }
.Lfunc_end0:
.L_simem_size_0:
called_computation.1_lowered:
.L_overlay_start_0:
0x88: {  	s2 =	sld [smem:$0x3FD9]  }
0x89: {  	s3 =	sld [smem:$0x3FFE];
	_ =	sdelay $0x1  }
0x8a: {  	s1 =	srdreg.scid  }
0x8b: {  	s0 =	sand.u32 $0x1, s1  }
0x8c: {  	s14 =	sshll.u32 s0, $0xA;
	s2 =	sadd.s32 s3, s2  }
0x8d: {  	s2 =	sadd.s32 s2, s14  }
0x8e: {  	[smem:$0x3FBA] =	sst s2  }
0x8f: {  	_ = 	snop  }
0x90: {  	s2 =	sld [smem:$0x3FD0];
	_ =	sdelay $0x2  }
0x91: {  	s15 =	simm.s32 $0xA;
	s4 =	simm.s32 $0x10  }
0x92: {  	[smem:s4], [sflag:s15] =	dma.local [hbm:s2], $0x1  }
0x93: {  	_ =	swait.eq [sflag:s15], $0x1  }
0x94: {  	[sflag:s15] =	ssyncset.done $0x0  }
0x95: {  	s16 =	sld [smem:$0x10];
	[sflag:s15] =	ssyncadd.s32 $0xFFFFFFFF  }
0x96: {  	s17 =	sld [smem:$0x11];
	(tm) =	ssettm $0x1  }
0x97: {  	s18 =	sld [smem:$0x3FFB];
	_ =	sdelay $0x3  }
0x98: {  	_ =	strace s18  }
0x99: {  	s4 =	sld [smem:$0x3FFC];
	_ =	sdelay $0x3  }
0x9a: {  	_ =	strace s4  }
0x9b: {  	s4 =	sld [smem:$0x3FFD];
	_ =	sdelay $0x3  }
0x9c: {  	_ =	strace s4  }
0x9d: {  	_ =	strace $0x8FFFFFFF  }
0x9e: {  	s19 =	sld [smem:$0x3FDB];
	_ =	sdelay $0x1  }
0x9f: {  	s5 =	simm.s32 $_scs_section_size  }
0xa0: {  	s6 =	simm.s32 $_size__tile_overlayer_lowered;
	s7 =	simm.s32 $_tile_overlayer_lowered  }
0xa1: {  	s22 =	simm.s32 $0x1BFF;
	s21 =	sshll.u32 s7, $0x1;
	s4 =	sadd.s32 s5, s19  }
0xa2: {  	s8 =	simm.s32 $0x0;
	s20 =	sshll.u32 s6, $0x1;
	s6 =	sadd.s32 s21, s4  }
0xa3: {  	[timem:s8], [sflag:s22] =	dma.local [hbm:s6], s20  }
0xa4: {  	_ =	swait.ge [sflag:s22], s20  }
0xa5: {  	s5 =	ssub.s32 $0x0, s20;
	[sflag:s22] =	ssyncset.done $0x0  }
0xa6: {  	[sflag:s22] =	ssyncadd.s32 s5;
	_ =	sdelay $0x1  }
0xa7: {  	s23 =	simm.s32 $0x1B8B  }
0xa8: {  	_ =	swait.ge [sflag:s23], $0x1  }
0xa9: {  	[sflag:s23] =	ssyncset.done $0x0  }
0xaa: {  	s25 =	simm.s32 $0x1B8E;
	s24 =	sld [smem:$0x3FFE];
	[sflag:s23] =	ssyncadd.s32 $0xFFFFFFFF  }
0xab: {  	s26 =	simm.s32 $execute0_lowered;
	[smem:$0x3FD2] =	sst s25  }
0xac: {  	s6 =	sshll.u32 s26, $0x1;
	_ =	strace $0x80000049;
	[dreg:$0x1] =	wrdreg $0xFFFFFFFF  }
0xad: {  	s28 =	simm.s32 $_size_execute0_lowered;
	s4 =	sadd.s32 s4, s6;
	[dreg:$0x0] =	wrdreg $0x0  }
0xae: {  	s6 =	sshll.u32 s28, $0x1;
	[dreg:$0x2] =	wrdreg s4  }
0xaf: {  	[dreg:$0x3] =	wrdreg s6  }
0xb0: {  	[dreg:$0x4] =	wrdreg $0xC0  }
0xb1: {  	_ =	task [dreg:s8], $0x5FFFF  }
0xb2: {  	[dreg:$0x1] =	wrdreg $0xFFFFFFFF  }
0xb3: {  	[dreg:$0x0] =	wrdreg $0x60  }
0xb4: {  	[dreg:$0x2] =	wrdreg s24  }
0xb5: {  	[dreg:$0x3] =	wrdreg s16  }
0xb6: {  	[dreg:$0x4] =	wrdreg s17  }
0xb7: {  	[dreg:$0x5] =	wrdreg $0x90000  }
0xb8: {  	[dreg:$0x6] =	wrdreg $0x130000  }
0xb9: {  	[dreg:$0x7] =	wrdreg $0x9  }
0xba: {  	_ =	task.clear_ibuf [dreg:s8], $0x8FFFF;
	_ =	strace $0x90000049  }
0xbb: {  	s29 =	simm.s32 $0x9;
	_ =	strace $0x8000004B  }
0xbc: {  	_ =	swait.ge [sflag:s29], $0x1  }
0xbd: {  	[sflag:s29] =	ssyncadd.s32 $0xFFFFFFFF  }
0xbe: {  	_ =	strace $0x9000004B  }
0xbf: {  	_ =	sfence  }
0xc0: {  	s30 =	sld [smem:$0x0];
	_ =	sdelay $0x2  }
0xc1: {  	s31 =	sshll.u32 s1, $0xD;
	s1 =	sshrl.u32 s1, $0x2  }
0xc2: {  	s3 =	sand.u32 $0x4000, s31;
	s1 =	sadd.s32 s1, s30  }
0xc3: {  	s0 =	sor.u32 s3, s0;
	s1 =	sshll.u32 s1, $0x11  }
0xc4: {  	s0 =	sor.u32 s1, s0  }
0xc5: {  	s0 =	sadd.s32 $0x8F2B, s0  }
0xc6: {  	[sflag:s0] =	ssyncadd.remote.s32 $0x1  }
0xc7: {  	_ =	sfence.sel $0xFFFF  }
0xc8: {  	[dreg:$0x0] =	wrdreg $0xFFFFFFFF;
	(pc) =	sbr.abs _section_cstart, $3  }
0xc9: {  	[dreg:$0x1] =	wrdreg $0xFFFFFFFF  }
0xca: {  	_ =	task.clear_ibuf [dreg:s8], $0x2FFFF;
	_ =	strace $0x9FFFFFFF  }
0xcb: {  	(tm) =	ssettm $0x7FFFFFFF  }
tec
execute0_lowered:
.L_overlay_start_1:
0x0: {  	(tag) =	ssettag $0x1  }
0x1: {  	s5 =	rddreg [dreg:$0x0]  }
0x2: {  	s6 =	rddreg [dreg:$0x1]  }
0x3: {  	s7 =	rddreg [dreg:$0x2]  }
0x4: {  	s2 =	rddreg [dreg:$0x3]  }
0x5: {  	s3 =	rddreg [dreg:$0x4]  }
0x6: {  	s0 =	rddreg [dreg:$0x5]  }
0x7: {  	s4 =	simm.s32 $0x0;
	s1 =	stileid.u32;
	s9 =	srdreg.scid  }
0x8: {  	s16 =	simm.s32 $0x8;
	s17 =	simm.s32 $0x10;
	s19 =	simm.s32 $0x80  }
0x9: {  	s20 =	simm.s32 $0x5000;
	s21 =	simm.s32 $0x7000;
	s22 =	simm.s32 $0x2  }
0xa: {  	s23 =	simm.s32 $0x2780;
	s24 =	simm.s32 $0x4F00;
	s25 =	simm.s32 $0x4F80  }
0xb: {  	s26 =	simm.s32 $0x0;
	[smem:$0x7FF] =	sst s4;
	s8 =	smul.u32 $0x14000, s1  }
0xc: {  	s9 =	sand.u32 $0x1, s9;
	s11 =	sshll.u32 s1, $0x1;
	s13 =	smul.u32 $0xA000, s1  }
0xd: {  	s31 =	sshll.u32 s1, $0x6;
	_ =	strace $0x8000004A;
	s12 =	sshll.u32 s9, $0x6  }
0xe: {  	s11 =	sor.u32 s9, s11;
	s9 =	ssub.s32 $0x2, s9;
	s10 =	sshrl.u32 s8, $0x3  }
0xf: {  	s8 =	sor.u32 s12, s8;
	s11 =	smul.u32 $0x500, s11;
	s30 =	sshrl.u32 s9, $0x1  }
0x10: {  	s15 =	sadd.s32 s13, s2;
	s18 =	sadd.s32 s13, s3;
	s13 =	sor.u32 $0x1C03, s31  }
0x11: {  	s10 =	sadd.s32 s10, s5;
	s8 =	sshrl.u32 s8, $0x3;
	s12 =	ssub.s32 s9, s30  }
0x12: {  	s18 =	sshrl.u32 s18, $0x3;
	s14 =	sadd.s32 s8, s5;
	s5 =	sadd.s32 s6, s11  }
0x13: {  	s6 =	sadd.s32 s7, s11;
	s7 =	sadd.s32 $0x7F400, s10;
	s8 =	sadd.s32 $0x2F400, s10  }
0x14: {  	s10 =	smax.u32 s12, $0x1;
	s11 =	simm.s32 $0x3;
	s12 =	simm.s32 $0x2800  }
0x15: {  	s9 =	sadd.s32 $0xA7400, s14;
	s14 =	sshrl.u32 s15, $0x3;
	s15 =	simm.s32 $0x1  }
.LBB2_1:
0x16: {  	[tilespmem:s4], [sflag:$0x3] =	stream.linear.gather [hbm4b:s5+s4], $0x2800, $0x38;
	[tilespmem:$0x1D000] =	vst v63  }
0x17: {  	_ =	swait.ge [sflag:s11], $0x2800  }
0x18: {  	[sflag:s11] =	ssyncset.done $0x0  }
0x19: {  	[sflag:s11] =	ssyncadd.s32 $0xFFFFD800  }
0x1a: {  	[tilespmem:s12], [sflag:$0x3] =	stream.linear.gather [hbm4b:s6+s4], $0x2800, $0x38;
	[tilespmem:$0x1D000] =	vst v63  }
0x1b: {  	_ =	swait.ge [sflag:s11], $0x2800  }
0x1c: {  	[sflag:s11] =	ssyncset.done $0x0  }
0x1d: {  	[sflag:s11] =	ssyncadd.s32 $0xFFFFD800  }
0x1e: {  	[spmem:s14@s16], [sflag:s13] =	dma.strided [hbm:s7@s17], $0x1400, s15, $0x8   }
0x1f: {  	_ =	swait.ge [sflag:s11], $0x1400  }
0x20: {  	[sflag:s11] =	ssyncset.done $0x0  }
0x21: {  	[sflag:s11] =	ssyncadd.s32 $0xFFFFEC00  }
0x22: {  	[spmem:s18@s16], [sflag:s13] =	dma.strided [hbm:s8@s17], $0x1400, s15, $0x8   }
0x23: {  	_ =	swait.ge [sflag:s11], $0x1400  }
0x24: {  	[sflag:s11] =	ssyncset.done $0x0  }
0x25: {  	[sflag:s11] =	ssyncadd.s32 $0xFFFFEC00  }
0x26: {  	[bflag:$0x0] =	sbarrier.arrive $0xFFFF  }
0x27: {  	[tilespmem:s20], [sflag:$0x1] =	stream.indirect.gather [spmem:s3], $0x40, s4, s19, $0xb8;
	[tilespmem:$0x1D000] =	vst v63  }
0x28: {  	_ =	swait.ge [sflag:s15], $0x2000  }
0x29: {  	[sflag:s15] =	ssyncset.done $0x0  }
0x2a: {  	s28 =	simm.s32 $0x80;
	[sflag:s15] =	ssyncadd.s32 $0xFFFFE000  }
0x2b: {  	[tilespmem:s21], [sflag:$0x2] =	stream.indirect.gather [spmem:s3], $0x40, s28, s19, $0xb8;
	[tilespmem:$0x1D000] =	vst v63  }
0x2c: {  	s28 =	simm.s32 $0x2800  }
0x2d: {  	[spmem:s2] =	stream.indirect.scatter.add.f32 [tilespmem:s20], [sflag:$0x3], $0x40, s28, s19, $0xb8;
	[tilespmem:$0x1D000] =	vst v63  }
0x2e: {  	_ =	swait.ge [sflag:s11], $0x2000  }
0x2f: {  	[sflag:s11] =	ssyncset.done $0x0  }
0x30: {  	[sflag:s11] =	ssyncadd.s32 $0xFFFFE000  }
0x31: {  	_ =	swait.ge [sflag:s22], $0x2000  }
0x32: {  	[sflag:s22] =	ssyncset.done $0x0  }
0x33: {  	s28 =	simm.s32 $0x100;
	[sflag:s22] =	ssyncadd.s32 $0xFFFFE000  }
0x34: {  	[tilespmem:s20], [sflag:$0x1] =	stream.indirect.gather [spmem:s3], $0x40, s28, s19, $0xb8;
	[tilespmem:$0x1D000] =	vst v63  }
0x35: {  	s28 =	simm.s32 $0x2880  }
0x36: {  	[spmem:s2] =	stream.indirect.scatter.add.f32 [tilespmem:s21], [sflag:$0x3], $0x40, s28, s19, $0xb8;
	[tilespmem:$0x1D000] =	vst v63  }
0x37: {  	_ =	swait.ge [sflag:s11], $0x2000  }
0x38: {  	s28 =	simm.s32 $0x400;
	[sflag:s11] =	ssyncset.done $0x0  }
.LBB2_2:
0x39: {  	p0 =	sne.s32 s28, $0x9800  }
0x3a: {  	[sflag:s11] =	ssyncadd.s32 $0xFFFFE000;
	s29 =	smov.u32 s28;
	s28 =	sadd.s32 $0x400, s28  }
0x3b: {  	_ = 	snop  }
0x3c: {  	_ =	swait.ge [sflag:s15], $0x2000  }
0x3d: {  	s29 =	sshra.s32 s29, $0x2;
	[sflag:s15] =	ssyncset.done $0x0  }
0x3e: {  	s30 =	sadd.s32 $0x80, s29;
	[sflag:s15] =	ssyncadd.s32 $0xFFFFE000  }
0x3f: {  	[tilespmem:s21], [sflag:$0x2] =	stream.indirect.gather [spmem:s3], $0x40, s30, s19, $0xb8;
	[tilespmem:$0x1D000] =	vst v63  }
0x40: {  	s30 =	sadd.s32 $0x2800, s29  }
0x41: {  	[spmem:s2] =	stream.indirect.scatter.add.f32 [tilespmem:s20], [sflag:$0x3], $0x40, s30, s19, $0xb8;
	[tilespmem:$0x1D000] =	vst v63  }
0x42: {  	_ =	swait.ge [sflag:s11], $0x2000  }
0x43: {  	[sflag:s11] =	ssyncset.done $0x0  }
0x44: {  	[sflag:s11] =	ssyncadd.s32 $0xFFFFE000  }
0x45: {  	_ =	swait.ge [sflag:s22], $0x2000  }
0x46: {  	[sflag:s22] =	ssyncset.done $0x0  }
0x47: {  	s30 =	sadd.s32 $0x100, s29;
	[sflag:s22] =	ssyncadd.s32 $0xFFFFE000  }
0x48: {  	[tilespmem:s20], [sflag:$0x1] =	stream.indirect.gather [spmem:s3], $0x40, s30, s19, $0xb8;
	[tilespmem:$0x1D000] =	vst v63  }
.Ltmp0:
0x49: {  	_ = 	snop;
	(pc) =	sbr.rel @p0 .LBB2_2-.Ltmp0, $4  }
0x4a: {  	s29 =	sadd.s32 $0x2880, s29  }
0x4b: {  	[spmem:s2] =	stream.indirect.scatter.add.f32 [tilespmem:s21], [sflag:$0x3], $0x40, s29, s19, $0xb8;
	[tilespmem:$0x1D000] =	vst v63  }
0x4c: {  	_ =	swait.ge [sflag:s11], $0x2000  }
0x4d: {  	[sflag:s11] =	ssyncset.done $0x0  }
0x4e: {  	[sflag:s11] =	ssyncadd.s32 $0xFFFFE000  }
0x4f: {  	_ =	swait.ge [sflag:s15], $0x2000  }
0x50: {  	[sflag:s15] =	ssyncset.done $0x0  }
0x51: {  	[sflag:s15] =	ssyncadd.s32 $0xFFFFE000  }
0x52: {  	[tilespmem:s21], [sflag:$0x2] =	stream.indirect.gather [spmem:s3], $0x40, s23, s19, $0xb8;
	[tilespmem:$0x1D000] =	vst v63  }
0x53: {  	_ = 	snop  }
0x54: {  	[spmem:s2] =	stream.indirect.scatter.add.f32 [tilespmem:s20], [sflag:$0x3], $0x40, s24, s19, $0xb8;
	[tilespmem:$0x1D000] =	vst v63  }
0x55: {  	_ =	swait.ge [sflag:s11], $0x2000  }
0x56: {  	[sflag:s11] =	ssyncset.done $0x0  }
0x57: {  	[sflag:s11] =	ssyncadd.s32 $0xFFFFE000  }
0x58: {  	_ =	swait.ge [sflag:s22], $0x2000  }
0x59: {  	[sflag:s22] =	ssyncset.done $0x0  }
0x5a: {  	[sflag:s22] =	ssyncadd.s32 $0xFFFFE000  }
0x5b: {  	[spmem:s2] =	stream.indirect.scatter.add.f32 [tilespmem:s21], [sflag:$0x3], $0x40, s25, s19, $0xb8;
	[tilespmem:$0x1D000] =	vst v63  }
0x5c: {  	_ =	swait.ge [sflag:s11], $0x2000  }
0x5d: {  	s26 =	sadd.s32 $0x1, s26;
	[sflag:s11] =	ssyncset.done $0x0  }
0x5e: {  	p0 =	sne.s32 s26, s10;
	[sflag:s11] =	ssyncadd.s32 $0xFFFFE000  }
.Ltmp1:
0x5f: {  	[bflag:$0x0] =	sbarrier.arrive $0xFFFF;
	(pc) =	sbr.rel @p0 .LBB2_1-.Ltmp1, $4  }
0x60: {  	[hbm:s9@s17], [sflag:s13] =	dma.strided [spmem:s14@s16], $0x1400, s15, $0x8   }
0x61: {  	_ =	swait.ge [sflag:s11], $0x1400  }
0x62: {  	[sflag:s11] =	ssyncset.done $0x0  }
0x63: {  	[sflag:s11] =	ssyncadd.s32 $0xFFFFEC00  }
0x64: {  	_ =	sfence.sel $0x180000  }
0x65: {  	[bflag:$0x0] =	sbarrier.arrive $0xFFFF  }
0x66: {  	p0 =	sne.s32 s1, $0x0;
	_ =	strace $0x9000004A  }
0x67: {  	s0 =	sadd.s32 @!p0 $0x100000, s0;
	[bflag:$0x2] =	sbarrier.arrive $0xFFFF  }
0x68: {  	[sflag:s0] =	ssyncadd.tile.s32 @!p0 $0x1;
	_ =	shalt  }
.Lfunc_end2:
_tile_overlayer_lowered:
.L_overlay_start_2:
0x69: {  	(tag) =	ssettag $0x2  }
0x6a: {  	s0 =	rddreg [dreg:$0x0];
	s2 =	stileid.u32  }
0x6b: {  	s1 =	rddreg [dreg:$0x1];
	p0 =	sne.s32 s2, $0x0  }
0x6c: {  	s3 =	rddreg [dreg:$0x2];
	[bflag:$0x3] =	sbarrier.arrive $0xFFFF;
	s2 =	simm.s32 @!p0 $0x1C03  }
0x6d: {  	[timem:s3], [sflag:s2] =	dma.local @!p0 [hbm:s0], s1  }
0x6e: {  	s0 =	simm.s32 @!p0 $0x3  }
0x6f: {  	_ =	swait.ge @!p0 [sflag:s0], s1  }
0x70: {  	s1 =	ssub.s32 @!p0 $0x0, s1;
	[sflag:s0] =	ssyncset.done @!p0 $0x0  }
0x71: {  	[sflag:s0] =	ssyncadd.s32 @!p0 s1  }
0x72: {  	[bflag:$0x3] =	sbarrier.arrive $0xFFFF  }
0x73: {  	_ =	shalt  }

// kernel: kernel.18.cloned.1.call-start
scs
__scs_entry_jumppad:
0x0: {  	(pc) =	sbr.rel $0x88, $3  }
0x1: {  	(tag) =	ssettag $0x0;
	lr =	simm.s32 $0x1  }
0x2: {  	[smem:$0x3F93] =	sst lr;
	_ =	strace $0xD0000000  }
0x3: {  	_ = 	snop  }
0x4: {  	_ = 	snop  }
0x5: {  	_ = 	snop  }
0x6: {  	_ = 	snop  }
0x7: {  	_ = 	snop  }
__scs_overlays_trampoline_lowered:
0x8: {  	[smem:$0x3FA2] =	sst s0  }
0x9: {  	[smem:$0x3FA3] =	sst s1  }
0xa: {  	[smem:$0x3FA4] =	sst s2  }
0xb: {  	[smem:$0x3FA5] =	sst s3  }
0xc: {  	[smem:$0x3FA6] =	sst s4  }
0xd: {  	[smem:$0x3FA7] =	sst s5  }
0xe: {  	[smem:$0x3FA8] =	sst s6  }
0xf: {  	[smem:$0x3FA9] =	sst s7  }
0x10: {  	[smem:$0x3FAA] =	sst s8  }
0x11: {  	[smem:$0x3FAB] =	sst s9;
	s0 =	simm.s32 @!p0 $0x0  }
0x12: {  	s1 =	sld [smem:$0x3F91];
	s0 =	simm.s32 @p0 $0x1  }
0x13: {  	[smem:$0x3FAC] =	sst s0;
	s0 =	simm.s32 @!p1 $0x0  }
0x14: {  	s2 =	sld [smem:$0x3F90];
	s0 =	simm.s32 @p1 $0x1  }
0x15: {  	[smem:$0x3FAD] =	sst s0;
	s0 =	simm.s32 @!p2 $0x0  }
0x16: {  	s3 =	sld [smem:$0x3FDB];
	s0 =	simm.s32 @p2 $0x1  }
0x17: {  	s4 =	simm.s32 $0x1BF5;
	[smem:$0x3FAF] =	sst s0  }
0x18: {  	s0 =	sld [smem:$0x3F92];
	_ =	swait.ge [sflag:s4], $0x0  }
0x19: {  	s7 =	sld [smem:$0x3F93]  }
0x1a: {  	s8 =	sadd.s32 $0xFFFFE003, lr  }
0x1b: {  	s9 =	sadd.s32 $0xFFFFFEF7, lr;
	s5 =	simm.s32 $0xFFFFFFFF;
	p2 =	slt.u32 s8, $0xFFFFF086  }
0x1c: {  	p1 =	slt.u32 s9, $0xF7A;
	s5 =	simm.s32 @!p2 $0x0  }
0x1d: {  	s5 =	simm.s32 @p1 $0x1;
	p0 =	seq.s32 s7, s2  }
0x1e: {  	s7 =	smul.u32 @!p0 $0xF7A, s2;
	p2 =	seq.s32 @!p0 s5, $0x0  }
0x1f: {  	s9 =	smul.u32 $0xF7A, s1;
	s8 =	simm.s32 @!p0 $0x1BF5;
	p2 =	por !p2, p0  }
0x20: {  	[sflag:s8] =	ssyncset.s32 @!p0 $0xFFFFF086;
	s6 =	sadd.s32 @!p0 s3, s7;
	s7 =	simm.s32 @!p0 $0x108  }
0x21: {  	s3 =	sadd.s32 s3, s9;
	s6 =	sadd.s32 @!p0 $0x88, s6;
	s7 =	simm.s32 @p2 $0x1082  }
0x22: {  	[simem:s7], [sflag:s8] =	dma.local @!p0 [hbm:s6], $0xF7A  }
0x23: {  	s9 =	sor.u32 $0xD0000000, s2;
	s6 =	simm.s32 $0x108;
	_ =	swait.ge @!p0 [sflag:s8], $0x0  }
0x24: {  	s3 =	sadd.s32 $0x88, s3;
	s6 =	simm.s32 @!p1 $0x1082;
	[sflag:s4] =	ssyncset.s32 $0xFFFFF086  }
0x25: {  	[simem:s6], [sflag:s4] =	dma.local [hbm:s3], $0xF7A  }
0x26: {  	[smem:$0x3F93] =	sst s1;
	(tag) =	ssettag s2;
	_ =	strace s9  }
0x27: {  	s1 =	sld [smem:$0x3FA3]  }
0x28: {  	s2 =	sld [smem:$0x3FA4]  }
0x29: {  	s4 =	sld [smem:$0x3FA6]  }
0x2a: {  	p0 =	seq.s32 s5, $0x0;
	s5 =	sld [smem:$0x3FA7]  }
0x2b: {  	s6 =	sld [smem:$0x3FA8]  }
0x2c: {  	s7 =	sld [smem:$0x3FA9]  }
0x2d: {  	s3 =	simm.s32 $0x108;
	s8 =	sld [smem:$0x3FAA]  }
0x2e: {  	s3 =	simm.s32 @!p0 $0x1082;
	s9 =	sld [smem:$0x3FAB]  }
0x2f: {  	lr =	sadd.s32 s0, s3;
	s0 =	sld [smem:$0x3FA2]  }
0x30: {  	s3 =	sld [smem:$0x3FA5]  }
0x31: {  	[smem:$0x3FAE] =	sst s10  }
0x32: {  	s10 =	sld [smem:$0x3FAC];
	_ =	sdelay $0x3  }
0x33: {  	p0 =	seq.s32 s10, $0x1;
	s10 =	sld [smem:$0x3FAE];
	_ =	sdelay $0x3  }
0x34: {  	[smem:$0x3FAE] =	sst s10  }
0x35: {  	s10 =	sld [smem:$0x3FAD];
	_ =	sdelay $0x3  }
0x36: {  	p1 =	seq.s32 s10, $0x1;
	s10 =	sld [smem:$0x3FAE];
	_ =	sdelay $0x3  }
0x37: {  	[smem:$0x3FAE] =	sst s10  }
0x38: {  	s10 =	sld [smem:$0x3FAF]  }
0x39: {  	_ = 	snop;
	(pc) =	sbr.ind lr, $3  }
0x3a: {  	_ = 	snop  }
0x3b: {  	_ = 	snop  }
0x3c: {  	p2 =	seq.s32 s10, $0x1;
	s10 =	sld [smem:$0x3FAE]  }
0x3d: {  	_ =	shalt  }
0x3e: {  	_ =	shalt  }
0x3f: {  	_ =	shalt  }
0x40: {  	_ =	shalt  }
0x41: {  	_ =	shalt  }
0x42: {  	_ =	shalt  }
0x43: {  	_ =	shalt  }
0x44: {  	_ =	shalt  }
0x45: {  	_ =	shalt  }
0x46: {  	_ =	shalt  }
0x47: {  	_ =	shalt  }
0x48: {  	_ =	shalt  }
0x49: {  	_ =	shalt  }
0x4a: {  	_ =	shalt  }
0x4b: {  	_ =	shalt  }
0x4c: {  	_ =	shalt  }
0x4d: {  	_ =	shalt  }
0x4e: {  	_ =	shalt  }
0x4f: {  	_ =	shalt  }
0x50: {  	_ =	shalt  }
0x51: {  	_ =	shalt  }
0x52: {  	_ =	shalt  }
0x53: {  	_ =	shalt  }
0x54: {  	_ =	shalt  }
0x55: {  	_ =	shalt  }
0x56: {  	_ =	shalt  }
0x57: {  	_ =	shalt  }
0x58: {  	_ =	shalt  }
0x59: {  	_ =	shalt  }
0x5a: {  	_ =	shalt  }
0x5b: {  	_ =	shalt  }
0x5c: {  	_ =	shalt  }
0x5d: {  	_ =	shalt  }
0x5e: {  	_ =	shalt  }
0x5f: {  	_ =	shalt  }
0x60: {  	_ =	shalt  }
0x61: {  	_ =	shalt  }
0x62: {  	_ =	shalt  }
0x63: {  	_ =	shalt  }
0x64: {  	_ =	shalt  }
0x65: {  	_ =	shalt  }
0x66: {  	_ =	shalt  }
0x67: {  	_ =	shalt  }
0x68: {  	_ =	shalt  }
0x69: {  	_ =	shalt  }
0x6a: {  	_ =	shalt  }
0x6b: {  	_ =	shalt  }
0x6c: {  	_ =	shalt  }
0x6d: {  	_ =	shalt  }
0x6e: {  	_ =	shalt  }
0x6f: {  	_ =	shalt  }
0x70: {  	_ =	shalt  }
0x71: {  	_ =	shalt  }
0x72: {  	_ =	shalt  }
0x73: {  	_ =	shalt  }
0x74: {  	_ =	shalt  }
0x75: {  	_ =	shalt  }
0x76: {  	_ =	shalt  }
0x77: {  	_ =	shalt  }
0x78: {  	_ =	shalt  }
0x79: {  	_ =	shalt  }
0x7a: {  	_ =	shalt  }
0x7b: {  	_ =	shalt  }
0x7c: {  	_ =	shalt  }
0x7d: {  	_ =	shalt  }
0x7e: {  	_ =	shalt  }
0x7f: {  	_ =	shalt  }
0x80: {  	_ =	shalt  }
0x81: {  	_ =	shalt  }
0x82: {  	_ =	shalt  }
0x83: {  	_ =	shalt  }
0x84: {  	_ =	shalt  }
0x85: {  	_ =	shalt  }
0x86: {  	_ =	shalt  }
0x87: {  	_ =	shalt  }
.Lfunc_end0:
.L_simem_size_0:
called_computation.2_lowered:
.L_overlay_start_0:
0x88: {  	s2 =	sld [smem:$0x3FD9]  }
0x89: {  	s3 =	sld [smem:$0x3FFE];
	_ =	sdelay $0x1  }
0x8a: {  	s1 =	srdreg.scid  }
0x8b: {  	s0 =	sand.u32 $0x1, s1  }
0x8c: {  	s14 =	sshll.u32 s0, $0xA;
	s2 =	sadd.s32 s3, s2  }
0x8d: {  	s2 =	sadd.s32 s2, s14  }
0x8e: {  	[smem:$0x3FBA] =	sst s2  }
0x8f: {  	_ = 	snop  }
0x90: {  	s2 =	sld [smem:$0x3FD0];
	_ =	sdelay $0x2  }
0x91: {  	s15 =	simm.s32 $0xA;
	s4 =	simm.s32 $0x10  }
0x92: {  	[smem:s4], [sflag:s15] =	dma.local [hbm:s2], $0x1  }
0x93: {  	_ =	swait.eq [sflag:s15], $0x1  }
0x94: {  	[sflag:s15] =	ssyncset.done $0x0  }
0x95: {  	s16 =	sld [smem:$0x10];
	[sflag:s15] =	ssyncadd.s32 $0xFFFFFFFF  }
0x96: {  	s17 =	sld [smem:$0x11];
	(tm) =	ssettm $0x1  }
0x97: {  	s18 =	sld [smem:$0x3FFB];
	_ =	sdelay $0x3  }
0x98: {  	_ =	strace s18  }
0x99: {  	s4 =	sld [smem:$0x3FFC];
	_ =	sdelay $0x3  }
0x9a: {  	_ =	strace s4  }
0x9b: {  	s4 =	sld [smem:$0x3FFD];
	_ =	sdelay $0x3  }
0x9c: {  	_ =	strace s4  }
0x9d: {  	_ =	strace $0x8FFFFFFF  }
0x9e: {  	s19 =	sld [smem:$0x3FDB];
	_ =	sdelay $0x1  }
0x9f: {  	s5 =	simm.s32 $_scs_section_size  }
0xa0: {  	s6 =	simm.s32 $_size__tile_overlayer_lowered;
	s7 =	simm.s32 $_tile_overlayer_lowered  }
0xa1: {  	s22 =	simm.s32 $0x1BFF;
	s21 =	sshll.u32 s7, $0x1;
	s4 =	sadd.s32 s5, s19  }
0xa2: {  	s8 =	simm.s32 $0x0;
	s20 =	sshll.u32 s6, $0x1;
	s6 =	sadd.s32 s21, s4  }
0xa3: {  	[timem:s8], [sflag:s22] =	dma.local [hbm:s6], s20  }
0xa4: {  	_ =	swait.ge [sflag:s22], s20  }
0xa5: {  	s5 =	ssub.s32 $0x0, s20;
	[sflag:s22] =	ssyncset.done $0x0  }
0xa6: {  	[sflag:s22] =	ssyncadd.s32 s5;
	_ =	sdelay $0x1  }
0xa7: {  	s23 =	simm.s32 $0x1B8B  }
0xa8: {  	_ =	swait.ge [sflag:s23], $0x1  }
0xa9: {  	[sflag:s23] =	ssyncset.done $0x0  }
0xaa: {  	s25 =	simm.s32 $0x1B8E;
	s24 =	sld [smem:$0x3FFE];
	[sflag:s23] =	ssyncadd.s32 $0xFFFFFFFF  }
0xab: {  	s26 =	simm.s32 $execute0_lowered;
	[smem:$0x3FD2] =	sst s25  }
0xac: {  	s6 =	sshll.u32 s26, $0x1;
	_ =	strace $0x8000004C;
	[dreg:$0x1] =	wrdreg $0xFFFFFFFF  }
0xad: {  	s28 =	simm.s32 $_size_execute0_lowered;
	s4 =	sadd.s32 s4, s6;
	[dreg:$0x0] =	wrdreg $0x0  }
0xae: {  	s6 =	sshll.u32 s28, $0x1;
	[dreg:$0x2] =	wrdreg s4  }
0xaf: {  	[dreg:$0x3] =	wrdreg s6  }
0xb0: {  	[dreg:$0x4] =	wrdreg $0xC0  }
0xb1: {  	_ =	task [dreg:s8], $0x5FFFF  }
0xb2: {  	[dreg:$0x1] =	wrdreg $0xFFFFFFFF  }
0xb3: {  	[dreg:$0x0] =	wrdreg $0x60  }
0xb4: {  	[dreg:$0x2] =	wrdreg s24  }
0xb5: {  	[dreg:$0x3] =	wrdreg s16  }
0xb6: {  	[dreg:$0x4] =	wrdreg s17  }
0xb7: {  	[dreg:$0x5] =	wrdreg $0x90000  }
0xb8: {  	[dreg:$0x6] =	wrdreg $0x130000  }
0xb9: {  	[dreg:$0x7] =	wrdreg $0x9  }
0xba: {  	_ =	task.clear_ibuf [dreg:s8], $0x8FFFF;
	_ =	strace $0x9000004C  }
0xbb: {  	s29 =	simm.s32 $0x9;
	_ =	strace $0x8000004E  }
0xbc: {  	_ =	swait.ge [sflag:s29], $0x1  }
0xbd: {  	[sflag:s29] =	ssyncadd.s32 $0xFFFFFFFF  }
0xbe: {  	_ =	strace $0x9000004E  }
0xbf: {  	_ =	sfence  }
0xc0: {  	s30 =	sld [smem:$0x0];
	_ =	sdelay $0x2  }
0xc1: {  	s31 =	sshll.u32 s1, $0xD;
	s1 =	sshrl.u32 s1, $0x2  }
0xc2: {  	s3 =	sand.u32 $0x4000, s31;
	s1 =	sadd.s32 s1, s30  }
0xc3: {  	s0 =	sor.u32 s3, s0;
	s1 =	sshll.u32 s1, $0x11  }
0xc4: {  	s0 =	sor.u32 s1, s0  }
0xc5: {  	s0 =	sadd.s32 $0x8F2B, s0  }
0xc6: {  	[sflag:s0] =	ssyncadd.remote.s32 $0x1  }
0xc7: {  	_ =	sfence.sel $0xFFFF  }
0xc8: {  	[dreg:$0x0] =	wrdreg $0xFFFFFFFF;
	(pc) =	sbr.abs _section_cstart, $3  }
0xc9: {  	[dreg:$0x1] =	wrdreg $0xFFFFFFFF  }
0xca: {  	_ =	task.clear_ibuf [dreg:s8], $0x2FFFF;
	_ =	strace $0x9FFFFFFF  }
0xcb: {  	(tm) =	ssettm $0x7FFFFFFF  }
tec
execute0_lowered:
.L_overlay_start_1:
0x0: {  	(tag) =	ssettag $0x1  }
0x1: {  	s5 =	rddreg [dreg:$0x0]  }
0x2: {  	s6 =	rddreg [dreg:$0x1]  }
0x3: {  	s7 =	rddreg [dreg:$0x2]  }
0x4: {  	s2 =	rddreg [dreg:$0x3]  }
0x5: {  	s3 =	rddreg [dreg:$0x4]  }
0x6: {  	s0 =	rddreg [dreg:$0x5]  }
0x7: {  	s4 =	simm.s32 $0x0;
	s1 =	stileid.u32;
	s9 =	srdreg.scid  }
0x8: {  	s16 =	simm.s32 $0x8;
	s17 =	simm.s32 $0x10;
	s19 =	simm.s32 $0x80  }
0x9: {  	s20 =	simm.s32 $0x5000;
	s21 =	simm.s32 $0x7000;
	s22 =	simm.s32 $0x2  }
0xa: {  	s23 =	simm.s32 $0x2780;
	s24 =	simm.s32 $0x4F00;
	s25 =	simm.s32 $0x4F80  }
0xb: {  	s26 =	simm.s32 $0x0;
	[smem:$0x7FF] =	sst s4;
	s8 =	smul.u32 $0x14000, s1  }
0xc: {  	s9 =	sand.u32 $0x1, s9;
	s11 =	sshll.u32 s1, $0x1;
	s13 =	smul.u32 $0xA000, s1  }
0xd: {  	s31 =	sshll.u32 s1, $0x6;
	_ =	strace $0x8000004D;
	s12 =	sshll.u32 s9, $0x6  }
0xe: {  	s11 =	sor.u32 s9, s11;
	s9 =	ssub.s32 $0x2, s9;
	s10 =	sshrl.u32 s8, $0x3  }
0xf: {  	s8 =	sor.u32 s12, s8;
	s11 =	smul.u32 $0x500, s11;
	s30 =	sshrl.u32 s9, $0x1  }
0x10: {  	s15 =	sadd.s32 s13, s2;
	s18 =	sadd.s32 s13, s3;
	s13 =	sor.u32 $0x1C03, s31  }
0x11: {  	s10 =	sadd.s32 s10, s5;
	s8 =	sshrl.u32 s8, $0x3;
	s12 =	ssub.s32 s9, s30  }
0x12: {  	s18 =	sshrl.u32 s18, $0x3;
	s14 =	sadd.s32 s8, s5;
	s5 =	sadd.s32 s6, s11  }
0x13: {  	s6 =	sadd.s32 s7, s11;
	s7 =	sadd.s32 $0x7F400, s10;
	s8 =	sadd.s32 $0x2E400, s10  }
0x14: {  	s10 =	smax.u32 s12, $0x1;
	s11 =	simm.s32 $0x3;
	s12 =	simm.s32 $0x2800  }
0x15: {  	s9 =	sadd.s32 $0xA7400, s14;
	s14 =	sshrl.u32 s15, $0x3;
	s15 =	simm.s32 $0x1  }
.LBB2_1:
0x16: {  	[tilespmem:s4], [sflag:$0x3] =	stream.linear.gather [hbm4b:s5+s4], $0x2800, $0x38;
	[tilespmem:$0x1D000] =	vst v63  }
0x17: {  	_ =	swait.ge [sflag:s11], $0x2800  }
0x18: {  	[sflag:s11] =	ssyncset.done $0x0  }
0x19: {  	[sflag:s11] =	ssyncadd.s32 $0xFFFFD800  }
0x1a: {  	[tilespmem:s12], [sflag:$0x3] =	stream.linear.gather [hbm4b:s6+s4], $0x2800, $0x38;
	[tilespmem:$0x1D000] =	vst v63  }
0x1b: {  	_ =	swait.ge [sflag:s11], $0x2800  }
0x1c: {  	[sflag:s11] =	ssyncset.done $0x0  }
0x1d: {  	[sflag:s11] =	ssyncadd.s32 $0xFFFFD800  }
0x1e: {  	[spmem:s14@s16], [sflag:s13] =	dma.strided [hbm:s7@s17], $0x1400, s15, $0x8   }
0x1f: {  	_ =	swait.ge [sflag:s11], $0x1400  }
0x20: {  	[sflag:s11] =	ssyncset.done $0x0  }
0x21: {  	[sflag:s11] =	ssyncadd.s32 $0xFFFFEC00  }
0x22: {  	[spmem:s18@s16], [sflag:s13] =	dma.strided [hbm:s8@s17], $0x1400, s15, $0x8   }
0x23: {  	_ =	swait.ge [sflag:s11], $0x1400  }
0x24: {  	[sflag:s11] =	ssyncset.done $0x0  }
0x25: {  	[sflag:s11] =	ssyncadd.s32 $0xFFFFEC00  }
0x26: {  	[bflag:$0x0] =	sbarrier.arrive $0xFFFF  }
0x27: {  	[tilespmem:s20], [sflag:$0x1] =	stream.indirect.gather [spmem:s3], $0x40, s4, s19, $0xb8;
	[tilespmem:$0x1D000] =	vst v63  }
0x28: {  	_ =	swait.ge [sflag:s15], $0x2000  }
0x29: {  	[sflag:s15] =	ssyncset.done $0x0  }
0x2a: {  	s28 =	simm.s32 $0x80;
	[sflag:s15] =	ssyncadd.s32 $0xFFFFE000  }
0x2b: {  	[tilespmem:s21], [sflag:$0x2] =	stream.indirect.gather [spmem:s3], $0x40, s28, s19, $0xb8;
	[tilespmem:$0x1D000] =	vst v63  }
0x2c: {  	s28 =	simm.s32 $0x2800  }
0x2d: {  	[spmem:s2] =	stream.indirect.scatter.add.f32 [tilespmem:s20], [sflag:$0x3], $0x40, s28, s19, $0xb8;
	[tilespmem:$0x1D000] =	vst v63  }
0x2e: {  	_ =	swait.ge [sflag:s11], $0x2000  }
0x2f: {  	[sflag:s11] =	ssyncset.done $0x0  }
0x30: {  	[sflag:s11] =	ssyncadd.s32 $0xFFFFE000  }
0x31: {  	_ =	swait.ge [sflag:s22], $0x2000  }
0x32: {  	[sflag:s22] =	ssyncset.done $0x0  }
0x33: {  	s28 =	simm.s32 $0x100;
	[sflag:s22] =	ssyncadd.s32 $0xFFFFE000  }
0x34: {  	[tilespmem:s20], [sflag:$0x1] =	stream.indirect.gather [spmem:s3], $0x40, s28, s19, $0xb8;
	[tilespmem:$0x1D000] =	vst v63  }
0x35: {  	s28 =	simm.s32 $0x2880  }
0x36: {  	[spmem:s2] =	stream.indirect.scatter.add.f32 [tilespmem:s21], [sflag:$0x3], $0x40, s28, s19, $0xb8;
	[tilespmem:$0x1D000] =	vst v63  }
0x37: {  	_ =	swait.ge [sflag:s11], $0x2000  }
0x38: {  	s28 =	simm.s32 $0x400;
	[sflag:s11] =	ssyncset.done $0x0  }
.LBB2_2:
0x39: {  	p0 =	sne.s32 s28, $0x9800  }
0x3a: {  	[sflag:s11] =	ssyncadd.s32 $0xFFFFE000;
	s29 =	smov.u32 s28;
	s28 =	sadd.s32 $0x400, s28  }
0x3b: {  	_ = 	snop  }
0x3c: {  	_ =	swait.ge [sflag:s15], $0x2000  }
0x3d: {  	s29 =	sshra.s32 s29, $0x2;
	[sflag:s15] =	ssyncset.done $0x0  }
0x3e: {  	s30 =	sadd.s32 $0x80, s29;
	[sflag:s15] =	ssyncadd.s32 $0xFFFFE000  }
0x3f: {  	[tilespmem:s21], [sflag:$0x2] =	stream.indirect.gather [spmem:s3], $0x40, s30, s19, $0xb8;
	[tilespmem:$0x1D000] =	vst v63  }
0x40: {  	s30 =	sadd.s32 $0x2800, s29  }
0x41: {  	[spmem:s2] =	stream.indirect.scatter.add.f32 [tilespmem:s20], [sflag:$0x3], $0x40, s30, s19, $0xb8;
	[tilespmem:$0x1D000] =	vst v63  }
0x42: {  	_ =	swait.ge [sflag:s11], $0x2000  }
0x43: {  	[sflag:s11] =	ssyncset.done $0x0  }
0x44: {  	[sflag:s11] =	ssyncadd.s32 $0xFFFFE000  }
0x45: {  	_ =	swait.ge [sflag:s22], $0x2000  }
0x46: {  	[sflag:s22] =	ssyncset.done $0x0  }
0x47: {  	s30 =	sadd.s32 $0x100, s29;
	[sflag:s22] =	ssyncadd.s32 $0xFFFFE000  }
0x48: {  	[tilespmem:s20], [sflag:$0x1] =	stream.indirect.gather [spmem:s3], $0x40, s30, s19, $0xb8;
	[tilespmem:$0x1D000] =	vst v63  }
.Ltmp0:
0x49: {  	_ = 	snop;
	(pc) =	sbr.rel @p0 .LBB2_2-.Ltmp0, $4  }
0x4a: {  	s29 =	sadd.s32 $0x2880, s29  }
0x4b: {  	[spmem:s2] =	stream.indirect.scatter.add.f32 [tilespmem:s21], [sflag:$0x3], $0x40, s29, s19, $0xb8;
	[tilespmem:$0x1D000] =	vst v63  }
0x4c: {  	_ =	swait.ge [sflag:s11], $0x2000  }
0x4d: {  	[sflag:s11] =	ssyncset.done $0x0  }
0x4e: {  	[sflag:s11] =	ssyncadd.s32 $0xFFFFE000  }
0x4f: {  	_ =	swait.ge [sflag:s15], $0x2000  }
0x50: {  	[sflag:s15] =	ssyncset.done $0x0  }
0x51: {  	[sflag:s15] =	ssyncadd.s32 $0xFFFFE000  }
0x52: {  	[tilespmem:s21], [sflag:$0x2] =	stream.indirect.gather [spmem:s3], $0x40, s23, s19, $0xb8;
	[tilespmem:$0x1D000] =	vst v63  }
0x53: {  	_ = 	snop  }
0x54: {  	[spmem:s2] =	stream.indirect.scatter.add.f32 [tilespmem:s20], [sflag:$0x3], $0x40, s24, s19, $0xb8;
	[tilespmem:$0x1D000] =	vst v63  }
0x55: {  	_ =	swait.ge [sflag:s11], $0x2000  }
0x56: {  	[sflag:s11] =	ssyncset.done $0x0  }
0x57: {  	[sflag:s11] =	ssyncadd.s32 $0xFFFFE000  }
0x58: {  	_ =	swait.ge [sflag:s22], $0x2000  }
0x59: {  	[sflag:s22] =	ssyncset.done $0x0  }
0x5a: {  	[sflag:s22] =	ssyncadd.s32 $0xFFFFE000  }
0x5b: {  	[spmem:s2] =	stream.indirect.scatter.add.f32 [tilespmem:s21], [sflag:$0x3], $0x40, s25, s19, $0xb8;
	[tilespmem:$0x1D000] =	vst v63  }
0x5c: {  	_ =	swait.ge [sflag:s11], $0x2000  }
0x5d: {  	s26 =	sadd.s32 $0x1, s26;
	[sflag:s11] =	ssyncset.done $0x0  }
0x5e: {  	p0 =	sne.s32 s26, s10;
	[sflag:s11] =	ssyncadd.s32 $0xFFFFE000  }
.Ltmp1:
0x5f: {  	[bflag:$0x0] =	sbarrier.arrive $0xFFFF;
	(pc) =	sbr.rel @p0 .LBB2_1-.Ltmp1, $4  }
0x60: {  	[hbm:s9@s17], [sflag:s13] =	dma.strided [spmem:s14@s16], $0x1400, s15, $0x8   }
0x61: {  	_ =	swait.ge [sflag:s11], $0x1400  }
0x62: {  	[sflag:s11] =	ssyncset.done $0x0  }
0x63: {  	[sflag:s11] =	ssyncadd.s32 $0xFFFFEC00  }
0x64: {  	_ =	sfence.sel $0x180000  }
0x65: {  	[bflag:$0x0] =	sbarrier.arrive $0xFFFF  }
0x66: {  	p0 =	sne.s32 s1, $0x0;
	_ =	strace $0x9000004D  }
0x67: {  	s0 =	sadd.s32 @!p0 $0x100000, s0;
	[bflag:$0x2] =	sbarrier.arrive $0xFFFF  }
0x68: {  	[sflag:s0] =	ssyncadd.tile.s32 @!p0 $0x1;
	_ =	shalt  }
.Lfunc_end2:
_tile_overlayer_lowered:
.L_overlay_start_2:
0x69: {  	(tag) =	ssettag $0x2  }
0x6a: {  	s0 =	rddreg [dreg:$0x0];
	s2 =	stileid.u32  }
0x6b: {  	s1 =	rddreg [dreg:$0x1];
	p0 =	sne.s32 s2, $0x0  }
0x6c: {  	s3 =	rddreg [dreg:$0x2];
	[bflag:$0x3] =	sbarrier.arrive $0xFFFF;
	s2 =	simm.s32 @!p0 $0x1C03  }
0x6d: {  	[timem:s3], [sflag:s2] =	dma.local @!p0 [hbm:s0], s1  }
0x6e: {  	s0 =	simm.s32 @!p0 $0x3  }
0x6f: {  	_ =	swait.ge @!p0 [sflag:s0], s1  }
0x70: {  	s1 =	ssub.s32 @!p0 $0x0, s1;
	[sflag:s0] =	ssyncset.done @!p0 $0x0  }
0x71: {  	[sflag:s0] =	ssyncadd.s32 @!p0 s1  }
0x72: {  	[bflag:$0x3] =	sbarrier.arrive $0xFFFF  }
0x73: {  	_ =	shalt  }

// kernel: kernel.21.cloned.1.call-start
scs
__scs_entry_jumppad:
0x0: {  	(pc) =	sbr.rel $0x88, $3  }
0x1: {  	(tag) =	ssettag $0x0;
	lr =	simm.s32 $0x1  }
0x2: {  	[smem:$0x3F93] =	sst lr;
	_ =	strace $0xD0000000  }
0x3: {  	_ = 	snop  }
0x4: {  	_ = 	snop  }
0x5: {  	_ = 	snop  }
0x6: {  	_ = 	snop  }
0x7: {  	_ = 	snop  }
__scs_overlays_trampoline_lowered:
0x8: {  	[smem:$0x3FA2] =	sst s0  }
0x9: {  	[smem:$0x3FA3] =	sst s1  }
0xa: {  	[smem:$0x3FA4] =	sst s2  }
0xb: {  	[smem:$0x3FA5] =	sst s3  }
0xc: {  	[smem:$0x3FA6] =	sst s4  }
0xd: {  	[smem:$0x3FA7] =	sst s5  }
0xe: {  	[smem:$0x3FA8] =	sst s6  }
0xf: {  	[smem:$0x3FA9] =	sst s7  }
0x10: {  	[smem:$0x3FAA] =	sst s8  }
0x11: {  	[smem:$0x3FAB] =	sst s9;
	s0 =	simm.s32 @!p0 $0x0  }
0x12: {  	s1 =	sld [smem:$0x3F91];
	s0 =	simm.s32 @p0 $0x1  }
0x13: {  	[smem:$0x3FAC] =	sst s0;
	s0 =	simm.s32 @!p1 $0x0  }
0x14: {  	s2 =	sld [smem:$0x3F90];
	s0 =	simm.s32 @p1 $0x1  }
0x15: {  	[smem:$0x3FAD] =	sst s0;
	s0 =	simm.s32 @!p2 $0x0  }
0x16: {  	s3 =	sld [smem:$0x3FDB];
	s0 =	simm.s32 @p2 $0x1  }
0x17: {  	s4 =	simm.s32 $0x1BF5;
	[smem:$0x3FAF] =	sst s0  }
0x18: {  	s0 =	sld [smem:$0x3F92];
	_ =	swait.ge [sflag:s4], $0x0  }
0x19: {  	s7 =	sld [smem:$0x3F93]  }
0x1a: {  	s8 =	sadd.s32 $0xFFFFE003, lr  }
0x1b: {  	s9 =	sadd.s32 $0xFFFFFEF7, lr;
	s5 =	simm.s32 $0xFFFFFFFF;
	p2 =	slt.u32 s8, $0xFFFFF086  }
0x1c: {  	p1 =	slt.u32 s9, $0xF7A;
	s5 =	simm.s32 @!p2 $0x0  }
0x1d: {  	s5 =	simm.s32 @p1 $0x1;
	p0 =	seq.s32 s7, s2  }
0x1e: {  	s7 =	smul.u32 @!p0 $0xF7A, s2;
	p2 =	seq.s32 @!p0 s5, $0x0  }
0x1f: {  	s9 =	smul.u32 $0xF7A, s1;
	s8 =	simm.s32 @!p0 $0x1BF5;
	p2 =	por !p2, p0  }
0x20: {  	[sflag:s8] =	ssyncset.s32 @!p0 $0xFFFFF086;
	s6 =	sadd.s32 @!p0 s3, s7;
	s7 =	simm.s32 @!p0 $0x108  }
0x21: {  	s3 =	sadd.s32 s3, s9;
	s6 =	sadd.s32 @!p0 $0x88, s6;
	s7 =	simm.s32 @p2 $0x1082  }
0x22: {  	[simem:s7], [sflag:s8] =	dma.local @!p0 [hbm:s6], $0xF7A  }
0x23: {  	s9 =	sor.u32 $0xD0000000, s2;
	s6 =	simm.s32 $0x108;
	_ =	swait.ge @!p0 [sflag:s8], $0x0  }
0x24: {  	s3 =	sadd.s32 $0x88, s3;
	s6 =	simm.s32 @!p1 $0x1082;
	[sflag:s4] =	ssyncset.s32 $0xFFFFF086  }
0x25: {  	[simem:s6], [sflag:s4] =	dma.local [hbm:s3], $0xF7A  }
0x26: {  	[smem:$0x3F93] =	sst s1;
	(tag) =	ssettag s2;
	_ =	strace s9  }
0x27: {  	s1 =	sld [smem:$0x3FA3]  }
0x28: {  	s2 =	sld [smem:$0x3FA4]  }
0x29: {  	s4 =	sld [smem:$0x3FA6]  }
0x2a: {  	p0 =	seq.s32 s5, $0x0;
	s5 =	sld [smem:$0x3FA7]  }
0x2b: {  	s6 =	sld [smem:$0x3FA8]  }
0x2c: {  	s7 =	sld [smem:$0x3FA9]  }
0x2d: {  	s3 =	simm.s32 $0x108;
	s8 =	sld [smem:$0x3FAA]  }
0x2e: {  	s3 =	simm.s32 @!p0 $0x1082;
	s9 =	sld [smem:$0x3FAB]  }
0x2f: {  	lr =	sadd.s32 s0, s3;
	s0 =	sld [smem:$0x3FA2]  }
0x30: {  	s3 =	sld [smem:$0x3FA5]  }
0x31: {  	[smem:$0x3FAE] =	sst s10  }
0x32: {  	s10 =	sld [smem:$0x3FAC];
	_ =	sdelay $0x3  }
0x33: {  	p0 =	seq.s32 s10, $0x1;
	s10 =	sld [smem:$0x3FAE];
	_ =	sdelay $0x3  }
0x34: {  	[smem:$0x3FAE] =	sst s10  }
0x35: {  	s10 =	sld [smem:$0x3FAD];
	_ =	sdelay $0x3  }
0x36: {  	p1 =	seq.s32 s10, $0x1;
	s10 =	sld [smem:$0x3FAE];
	_ =	sdelay $0x3  }
0x37: {  	[smem:$0x3FAE] =	sst s10  }
0x38: {  	s10 =	sld [smem:$0x3FAF]  }
0x39: {  	_ = 	snop;
	(pc) =	sbr.ind lr, $3  }
0x3a: {  	_ = 	snop  }
0x3b: {  	_ = 	snop  }
0x3c: {  	p2 =	seq.s32 s10, $0x1;
	s10 =	sld [smem:$0x3FAE]  }
0x3d: {  	_ =	shalt  }
0x3e: {  	_ =	shalt  }
0x3f: {  	_ =	shalt  }
0x40: {  	_ =	shalt  }
0x41: {  	_ =	shalt  }
0x42: {  	_ =	shalt  }
0x43: {  	_ =	shalt  }
0x44: {  	_ =	shalt  }
0x45: {  	_ =	shalt  }
0x46: {  	_ =	shalt  }
0x47: {  	_ =	shalt  }
0x48: {  	_ =	shalt  }
0x49: {  	_ =	shalt  }
0x4a: {  	_ =	shalt  }
0x4b: {  	_ =	shalt  }
0x4c: {  	_ =	shalt  }
0x4d: {  	_ =	shalt  }
0x4e: {  	_ =	shalt  }
0x4f: {  	_ =	shalt  }
0x50: {  	_ =	shalt  }
0x51: {  	_ =	shalt  }
0x52: {  	_ =	shalt  }
0x53: {  	_ =	shalt  }
0x54: {  	_ =	shalt  }
0x55: {  	_ =	shalt  }
0x56: {  	_ =	shalt  }
0x57: {  	_ =	shalt  }
0x58: {  	_ =	shalt  }
0x59: {  	_ =	shalt  }
0x5a: {  	_ =	shalt  }
0x5b: {  	_ =	shalt  }
0x5c: {  	_ =	shalt  }
0x5d: {  	_ =	shalt  }
0x5e: {  	_ =	shalt  }
0x5f: {  	_ =	shalt  }
0x60: {  	_ =	shalt  }
0x61: {  	_ =	shalt  }
0x62: {  	_ =	shalt  }
0x63: {  	_ =	shalt  }
0x64: {  	_ =	shalt  }
0x65: {  	_ =	shalt  }
0x66: {  	_ =	shalt  }
0x67: {  	_ =	shalt  }
0x68: {  	_ =	shalt  }
0x69: {  	_ =	shalt  }
0x6a: {  	_ =	shalt  }
0x6b: {  	_ =	shalt  }
0x6c: {  	_ =	shalt  }
0x6d: {  	_ =	shalt  }
0x6e: {  	_ =	shalt  }
0x6f: {  	_ =	shalt  }
0x70: {  	_ =	shalt  }
0x71: {  	_ =	shalt  }
0x72: {  	_ =	shalt  }
0x73: {  	_ =	shalt  }
0x74: {  	_ =	shalt  }
0x75: {  	_ =	shalt  }
0x76: {  	_ =	shalt  }
0x77: {  	_ =	shalt  }
0x78: {  	_ =	shalt  }
0x79: {  	_ =	shalt  }
0x7a: {  	_ =	shalt  }
0x7b: {  	_ =	shalt  }
0x7c: {  	_ =	shalt  }
0x7d: {  	_ =	shalt  }
0x7e: {  	_ =	shalt  }
0x7f: {  	_ =	shalt  }
0x80: {  	_ =	shalt  }
0x81: {  	_ =	shalt  }
0x82: {  	_ =	shalt  }
0x83: {  	_ =	shalt  }
0x84: {  	_ =	shalt  }
0x85: {  	_ =	shalt  }
0x86: {  	_ =	shalt  }
0x87: {  	_ =	shalt  }
.Lfunc_end0:
.L_simem_size_0:
called_computation.3_lowered:
.L_overlay_start_0:
0x88: {  	s2 =	sld [smem:$0x3FD9]  }
0x89: {  	s3 =	sld [smem:$0x3FFE];
	_ =	sdelay $0x1  }
0x8a: {  	s1 =	srdreg.scid  }
0x8b: {  	s0 =	sand.u32 $0x1, s1  }
0x8c: {  	s14 =	sshll.u32 s0, $0xA;
	s2 =	sadd.s32 s3, s2  }
0x8d: {  	s2 =	sadd.s32 s2, s14  }
0x8e: {  	[smem:$0x3FBA] =	sst s2  }
0x8f: {  	_ = 	snop  }
0x90: {  	s2 =	sld [smem:$0x3FD0];
	_ =	sdelay $0x2  }
0x91: {  	s15 =	simm.s32 $0xA;
	s4 =	simm.s32 $0x10  }
0x92: {  	[smem:s4], [sflag:s15] =	dma.local [hbm:s2], $0x1  }
0x93: {  	_ =	swait.eq [sflag:s15], $0x1  }
0x94: {  	[sflag:s15] =	ssyncset.done $0x0  }
0x95: {  	s16 =	sld [smem:$0x10];
	[sflag:s15] =	ssyncadd.s32 $0xFFFFFFFF  }
0x96: {  	s17 =	sld [smem:$0x11];
	(tm) =	ssettm $0x1  }
0x97: {  	s18 =	sld [smem:$0x3FFB];
	_ =	sdelay $0x3  }
0x98: {  	_ =	strace s18  }
0x99: {  	s4 =	sld [smem:$0x3FFC];
	_ =	sdelay $0x3  }
0x9a: {  	_ =	strace s4  }
0x9b: {  	s4 =	sld [smem:$0x3FFD];
	_ =	sdelay $0x3  }
0x9c: {  	_ =	strace s4  }
0x9d: {  	_ =	strace $0x8FFFFFFF  }
0x9e: {  	s19 =	sld [smem:$0x3FDB];
	_ =	sdelay $0x1  }
0x9f: {  	s5 =	simm.s32 $_scs_section_size  }
0xa0: {  	s6 =	simm.s32 $_size__tile_overlayer_lowered;
	s7 =	simm.s32 $_tile_overlayer_lowered  }
0xa1: {  	s22 =	simm.s32 $0x1BFF;
	s21 =	sshll.u32 s7, $0x1;
	s4 =	sadd.s32 s5, s19  }
0xa2: {  	s8 =	simm.s32 $0x0;
	s20 =	sshll.u32 s6, $0x1;
	s6 =	sadd.s32 s21, s4  }
0xa3: {  	[timem:s8], [sflag:s22] =	dma.local [hbm:s6], s20  }
0xa4: {  	_ =	swait.ge [sflag:s22], s20  }
0xa5: {  	s5 =	ssub.s32 $0x0, s20;
	[sflag:s22] =	ssyncset.done $0x0  }
0xa6: {  	[sflag:s22] =	ssyncadd.s32 s5;
	_ =	sdelay $0x1  }
0xa7: {  	s23 =	simm.s32 $0x1B8B  }
0xa8: {  	_ =	swait.ge [sflag:s23], $0x1  }
0xa9: {  	[sflag:s23] =	ssyncset.done $0x0  }
0xaa: {  	s25 =	simm.s32 $0x1B8E;
	s24 =	sld [smem:$0x3FFE];
	[sflag:s23] =	ssyncadd.s32 $0xFFFFFFFF  }
0xab: {  	s26 =	simm.s32 $execute0_lowered;
	[smem:$0x3FD2] =	sst s25  }
0xac: {  	s6 =	sshll.u32 s26, $0x1;
	_ =	strace $0x8000004F;
	[dreg:$0x1] =	wrdreg $0xFFFFFFFF  }
0xad: {  	s28 =	simm.s32 $_size_execute0_lowered;
	s4 =	sadd.s32 s4, s6;
	[dreg:$0x0] =	wrdreg $0x0  }
0xae: {  	s6 =	sshll.u32 s28, $0x1;
	[dreg:$0x2] =	wrdreg s4  }
0xaf: {  	[dreg:$0x3] =	wrdreg s6  }
0xb0: {  	[dreg:$0x4] =	wrdreg $0xC0  }
0xb1: {  	_ =	task [dreg:s8], $0x5FFFF  }
0xb2: {  	[dreg:$0x1] =	wrdreg $0xFFFFFFFF  }
0xb3: {  	[dreg:$0x0] =	wrdreg $0x60  }
0xb4: {  	[dreg:$0x2] =	wrdreg s24  }
0xb5: {  	[dreg:$0x3] =	wrdreg s16  }
0xb6: {  	[dreg:$0x4] =	wrdreg s17  }
0xb7: {  	[dreg:$0x5] =	wrdreg $0x78000  }
0xb8: {  	[dreg:$0x6] =	wrdreg $0xDC000  }
0xb9: {  	[dreg:$0x7] =	wrdreg $0x9  }
0xba: {  	_ =	task.clear_ibuf [dreg:s8], $0x8FFFF;
	_ =	strace $0x9000004F  }
0xbb: {  	s29 =	simm.s32 $0x9;
	_ =	strace $0x80000051  }
0xbc: {  	_ =	swait.ge [sflag:s29], $0x1  }
0xbd: {  	[sflag:s29] =	ssyncadd.s32 $0xFFFFFFFF  }
0xbe: {  	_ =	strace $0x90000051  }
0xbf: {  	_ =	sfence  }
0xc0: {  	s30 =	sld [smem:$0x0];
	_ =	sdelay $0x2  }
0xc1: {  	s31 =	sshll.u32 s1, $0xD;
	s1 =	sshrl.u32 s1, $0x2  }
0xc2: {  	s3 =	sand.u32 $0x4000, s31;
	s1 =	sadd.s32 s1, s30  }
0xc3: {  	s0 =	sor.u32 s3, s0;
	s1 =	sshll.u32 s1, $0x11  }
0xc4: {  	s0 =	sor.u32 s1, s0  }
0xc5: {  	s0 =	sadd.s32 $0x8F2B, s0  }
0xc6: {  	[sflag:s0] =	ssyncadd.remote.s32 $0x1  }
0xc7: {  	_ =	sfence.sel $0xFFFF  }
0xc8: {  	[dreg:$0x0] =	wrdreg $0xFFFFFFFF;
	(pc) =	sbr.abs _section_cstart, $3  }
0xc9: {  	[dreg:$0x1] =	wrdreg $0xFFFFFFFF  }
0xca: {  	_ =	task.clear_ibuf [dreg:s8], $0x2FFFF;
	_ =	strace $0x9FFFFFFF  }
0xcb: {  	(tm) =	ssettm $0x7FFFFFFF  }
tec
execute0_lowered:
.L_overlay_start_1:
0x0: {  	(tag) =	ssettag $0x1  }
0x1: {  	s5 =	rddreg [dreg:$0x0]  }
0x2: {  	s6 =	rddreg [dreg:$0x1]  }
0x3: {  	s7 =	rddreg [dreg:$0x2]  }
0x4: {  	s2 =	rddreg [dreg:$0x3]  }
0x5: {  	s3 =	rddreg [dreg:$0x4]  }
0x6: {  	s0 =	rddreg [dreg:$0x5]  }
0x7: {  	s4 =	simm.s32 $0x0;
	s1 =	stileid.u32;
	s9 =	srdreg.scid  }
0x8: {  	s16 =	simm.s32 $0x5;
	s17 =	simm.s32 $0x10;
	s19 =	simm.s32 $0x80  }
0x9: {  	s20 =	simm.s32 $0x5000;
	s21 =	simm.s32 $0x6400;
	s22 =	simm.s32 $0x2  }
0xa: {  	s23 =	simm.s32 $0x2780;
	s24 =	simm.s32 $0x4F00;
	s25 =	simm.s32 $0x4F80  }
0xb: {  	s26 =	simm.s32 $0x0;
	[smem:$0x7FF] =	sst s4;
	s8 =	smul.u32 $0x14000, s1  }
0xc: {  	s9 =	sand.u32 $0x1, s9;
	s11 =	sshll.u32 s1, $0x1;
	s13 =	smul.u32 $0x6400, s1  }
0xd: {  	s31 =	sshll.u32 s1, $0x6;
	_ =	strace $0x80000050;
	s12 =	sshll.u32 s9, $0x6  }
0xe: {  	s11 =	sor.u32 s9, s11;
	s9 =	ssub.s32 $0x2, s9;
	s10 =	sshrl.u32 s8, $0x3  }
0xf: {  	s8 =	sor.u32 s12, s8;
	s11 =	smul.u32 $0x500, s11;
	s30 =	sshrl.u32 s9, $0x1  }
0x10: {  	s15 =	sadd.s32 s13, s2;
	s18 =	sadd.s32 s13, s3;
	s13 =	sor.u32 $0x1C03, s31  }
0x11: {  	s10 =	sadd.s32 s10, s5;
	s8 =	sshrl.u32 s8, $0x3;
	s12 =	ssub.s32 s9, s30  }
0x12: {  	s18 =	sshrl.u32 s18, $0x3;
	s14 =	sadd.s32 s8, s5;
	s5 =	sadd.s32 s6, s11  }
0x13: {  	s6 =	sadd.s32 s7, s11;
	s7 =	sadd.s32 $0x7F400, s10;
	s8 =	sadd.s32 $0x6400, s10  }
0x14: {  	s10 =	smax.u32 s12, $0x1;
	s11 =	simm.s32 $0x3;
	s12 =	simm.s32 $0x2800  }
0x15: {  	s9 =	sadd.s32 $0x2E400, s14;
	s14 =	sshrl.u32 s15, $0x3;
	s15 =	simm.s32 $0x1  }
.LBB2_1:
0x16: {  	[tilespmem:s4], [sflag:$0x3] =	stream.linear.gather [hbm4b:s5+s4], $0x2800, $0x38;
	[tilespmem:$0x14000] =	vst v63  }
0x17: {  	_ =	swait.ge [sflag:s11], $0x2800  }
0x18: {  	[sflag:s11] =	ssyncset.done $0x0  }
0x19: {  	[sflag:s11] =	ssyncadd.s32 $0xFFFFD800  }
0x1a: {  	[tilespmem:s12], [sflag:$0x3] =	stream.linear.gather [hbm4b:s6+s4], $0x2800, $0x38;
	[tilespmem:$0x14000] =	vst v63  }
0x1b: {  	_ =	swait.ge [sflag:s11], $0x2800  }
0x1c: {  	[sflag:s11] =	ssyncset.done $0x0  }
0x1d: {  	[sflag:s11] =	ssyncadd.s32 $0xFFFFD800  }
0x1e: {  	[spmem:s14@s16], [sflag:s13] =	dma.strided [hbm:s7@s17], $0xC80, s15, $0x5   }
0x1f: {  	_ =	swait.ge [sflag:s11], $0xC80  }
0x20: {  	[sflag:s11] =	ssyncset.done $0x0  }
0x21: {  	[sflag:s11] =	ssyncadd.s32 $0xFFFFF380  }
0x22: {  	[spmem:s18@s16], [sflag:s13] =	dma.strided [hbm:s8@s17], $0xC80, s15, $0x5   }
0x23: {  	_ =	swait.ge [sflag:s11], $0xC80  }
0x24: {  	[sflag:s11] =	ssyncset.done $0x0  }
0x25: {  	[sflag:s11] =	ssyncadd.s32 $0xFFFFF380  }
0x26: {  	[bflag:$0x0] =	sbarrier.arrive $0xFFFF  }
0x27: {  	[tilespmem:s20], [sflag:$0x1] =	stream.indirect.gather [spmem:s3], $0x28, s4, s19, $0xb8;
	[tilespmem:$0x14000] =	vst v63  }
0x28: {  	_ =	swait.ge [sflag:s15], $0x1400  }
0x29: {  	[sflag:s15] =	ssyncset.done $0x0  }
0x2a: {  	s28 =	simm.s32 $0x80;
	[sflag:s15] =	ssyncadd.s32 $0xFFFFEC00  }
0x2b: {  	[tilespmem:s21], [sflag:$0x2] =	stream.indirect.gather [spmem:s3], $0x28, s28, s19, $0xb8;
	[tilespmem:$0x14000] =	vst v63  }
0x2c: {  	s28 =	simm.s32 $0x2800  }
0x2d: {  	[spmem:s2] =	stream.indirect.scatter.add.f32 [tilespmem:s20], [sflag:$0x3], $0x28, s28, s19, $0xb8;
	[tilespmem:$0x14000] =	vst v63  }
0x2e: {  	_ =	swait.ge [sflag:s11], $0x1400  }
0x2f: {  	[sflag:s11] =	ssyncset.done $0x0  }
0x30: {  	[sflag:s11] =	ssyncadd.s32 $0xFFFFEC00  }
0x31: {  	_ =	swait.ge [sflag:s22], $0x1400  }
0x32: {  	[sflag:s22] =	ssyncset.done $0x0  }
0x33: {  	s28 =	simm.s32 $0x100;
	[sflag:s22] =	ssyncadd.s32 $0xFFFFEC00  }
0x34: {  	[tilespmem:s20], [sflag:$0x1] =	stream.indirect.gather [spmem:s3], $0x28, s28, s19, $0xb8;
	[tilespmem:$0x14000] =	vst v63  }
0x35: {  	s28 =	simm.s32 $0x2880  }
0x36: {  	[spmem:s2] =	stream.indirect.scatter.add.f32 [tilespmem:s21], [sflag:$0x3], $0x28, s28, s19, $0xb8;
	[tilespmem:$0x14000] =	vst v63  }
0x37: {  	_ =	swait.ge [sflag:s11], $0x1400  }
0x38: {  	s28 =	simm.s32 $0x400;
	[sflag:s11] =	ssyncset.done $0x0  }
.LBB2_2:
0x39: {  	p0 =	sne.s32 s28, $0x9800  }
0x3a: {  	[sflag:s11] =	ssyncadd.s32 $0xFFFFEC00;
	s29 =	smov.u32 s28;
	s28 =	sadd.s32 $0x400, s28  }
0x3b: {  	_ = 	snop  }
0x3c: {  	_ =	swait.ge [sflag:s15], $0x1400  }
0x3d: {  	s29 =	sshra.s32 s29, $0x2;
	[sflag:s15] =	ssyncset.done $0x0  }
0x3e: {  	s30 =	sadd.s32 $0x80, s29;
	[sflag:s15] =	ssyncadd.s32 $0xFFFFEC00  }
0x3f: {  	[tilespmem:s21], [sflag:$0x2] =	stream.indirect.gather [spmem:s3], $0x28, s30, s19, $0xb8;
	[tilespmem:$0x14000] =	vst v63  }
0x40: {  	s30 =	sadd.s32 $0x2800, s29  }
0x41: {  	[spmem:s2] =	stream.indirect.scatter.add.f32 [tilespmem:s20], [sflag:$0x3], $0x28, s30, s19, $0xb8;
	[tilespmem:$0x14000] =	vst v63  }
0x42: {  	_ =	swait.ge [sflag:s11], $0x1400  }
0x43: {  	[sflag:s11] =	ssyncset.done $0x0  }
0x44: {  	[sflag:s11] =	ssyncadd.s32 $0xFFFFEC00  }
0x45: {  	_ =	swait.ge [sflag:s22], $0x1400  }
0x46: {  	[sflag:s22] =	ssyncset.done $0x0  }
0x47: {  	s30 =	sadd.s32 $0x100, s29;
	[sflag:s22] =	ssyncadd.s32 $0xFFFFEC00  }
0x48: {  	[tilespmem:s20], [sflag:$0x1] =	stream.indirect.gather [spmem:s3], $0x28, s30, s19, $0xb8;
	[tilespmem:$0x14000] =	vst v63  }
.Ltmp0:
0x49: {  	_ = 	snop;
	(pc) =	sbr.rel @p0 .LBB2_2-.Ltmp0, $4  }
0x4a: {  	s29 =	sadd.s32 $0x2880, s29  }
0x4b: {  	[spmem:s2] =	stream.indirect.scatter.add.f32 [tilespmem:s21], [sflag:$0x3], $0x28, s29, s19, $0xb8;
	[tilespmem:$0x14000] =	vst v63  }
0x4c: {  	_ =	swait.ge [sflag:s11], $0x1400  }
0x4d: {  	[sflag:s11] =	ssyncset.done $0x0  }
0x4e: {  	[sflag:s11] =	ssyncadd.s32 $0xFFFFEC00  }
0x4f: {  	_ =	swait.ge [sflag:s15], $0x1400  }
0x50: {  	[sflag:s15] =	ssyncset.done $0x0  }
0x51: {  	[sflag:s15] =	ssyncadd.s32 $0xFFFFEC00  }
0x52: {  	[tilespmem:s21], [sflag:$0x2] =	stream.indirect.gather [spmem:s3], $0x28, s23, s19, $0xb8;
	[tilespmem:$0x14000] =	vst v63  }
0x53: {  	_ = 	snop  }
0x54: {  	[spmem:s2] =	stream.indirect.scatter.add.f32 [tilespmem:s20], [sflag:$0x3], $0x28, s24, s19, $0xb8;
	[tilespmem:$0x14000] =	vst v63  }
0x55: {  	_ =	swait.ge [sflag:s11], $0x1400  }
0x56: {  	[sflag:s11] =	ssyncset.done $0x0  }
0x57: {  	[sflag:s11] =	ssyncadd.s32 $0xFFFFEC00  }
0x58: {  	_ =	swait.ge [sflag:s22], $0x1400  }
0x59: {  	[sflag:s22] =	ssyncset.done $0x0  }
0x5a: {  	[sflag:s22] =	ssyncadd.s32 $0xFFFFEC00  }
0x5b: {  	[spmem:s2] =	stream.indirect.scatter.add.f32 [tilespmem:s21], [sflag:$0x3], $0x28, s25, s19, $0xb8;
	[tilespmem:$0x14000] =	vst v63  }
0x5c: {  	_ =	swait.ge [sflag:s11], $0x1400  }
0x5d: {  	s26 =	sadd.s32 $0x1, s26;
	[sflag:s11] =	ssyncset.done $0x0  }
0x5e: {  	p0 =	sne.s32 s26, s10;
	[sflag:s11] =	ssyncadd.s32 $0xFFFFEC00  }
.Ltmp1:
0x5f: {  	[bflag:$0x0] =	sbarrier.arrive $0xFFFF;
	(pc) =	sbr.rel @p0 .LBB2_1-.Ltmp1, $4  }
0x60: {  	[hbm:s9@s17], [sflag:s13] =	dma.strided [spmem:s14@s16], $0xC80, s15, $0x5   }
0x61: {  	_ =	swait.ge [sflag:s11], $0xC80  }
0x62: {  	[sflag:s11] =	ssyncset.done $0x0  }
0x63: {  	[sflag:s11] =	ssyncadd.s32 $0xFFFFF380  }
0x64: {  	_ =	sfence.sel $0x180000  }
0x65: {  	[bflag:$0x0] =	sbarrier.arrive $0xFFFF  }
0x66: {  	p0 =	sne.s32 s1, $0x0;
	_ =	strace $0x90000050  }
0x67: {  	s0 =	sadd.s32 @!p0 $0x100000, s0;
	[bflag:$0x2] =	sbarrier.arrive $0xFFFF  }
0x68: {  	[sflag:s0] =	ssyncadd.tile.s32 @!p0 $0x1;
	_ =	shalt  }
.Lfunc_end2:
_tile_overlayer_lowered:
.L_overlay_start_2:
0x69: {  	(tag) =	ssettag $0x2  }
0x6a: {  	s0 =	rddreg [dreg:$0x0];
	s2 =	stileid.u32  }
0x6b: {  	s1 =	rddreg [dreg:$0x1];
	p0 =	sne.s32 s2, $0x0  }
0x6c: {  	s3 =	rddreg [dreg:$0x2];
	[bflag:$0x3] =	sbarrier.arrive $0xFFFF;
	s2 =	simm.s32 @!p0 $0x1C03  }
0x6d: {  	[timem:s3], [sflag:s2] =	dma.local @!p0 [hbm:s0], s1  }
0x6e: {  	s0 =	simm.s32 @!p0 $0x3  }
0x6f: {  	_ =	swait.ge @!p0 [sflag:s0], s1  }
0x70: {  	s1 =	ssub.s32 @!p0 $0x0, s1;
	[sflag:s0] =	ssyncset.done @!p0 $0x0  }
0x71: {  	[sflag:s0] =	ssyncadd.s32 @!p0 s1  }
0x72: {  	[bflag:$0x3] =	sbarrier.arrive $0xFFFF  }
0x73: {  	_ =	shalt  }

</sc_bundles>
